<compile_context>
chip_gen: v7x
topology: tpu7x:2x2x1
jax: 0.10.2.dev20260603
libtpu: 0.0.44.dev20260713+nightly
codegen_flags: <defaults>
</compile_context>

<pallas_src>
import functools

import numpy as np
import jax
import jax.numpy as jnp
from jax import lax
from jax.experimental import pallas as pl
from jax.experimental.pallas import tpu as pltpu
from jax.experimental.pallas import tpu_sc as plsc

_RAW_DIMS = np.array(
    [58, 58, 58, 82, 82, 82, 82, 58, 58, 58, 74, 58, 58, 58, 58, 58, 58, 74]
)
_N = 18
_P = 256
_F = 82
_E = 128
_BB = 256
_TBL = 32

_MASK = (np.arange(_F)[None, :] < _RAW_DIMS[:, None]).astype(np.float32)


def _build_adj(edge_flat):
    mesh = plsc.VectorSubcoreMesh(core_axis_name="c", subcore_axis_name="s")

    @functools.partial(
        pl.kernel,
        mesh=mesh,
        out_type=jax.ShapeDtypeStruct((_TBL, _TBL), jnp.float32),
        compiler_params=pltpu.CompilerParams(needs_layout_passes=False),
        scratch_types=[
            pltpu.VMEM((2 * _E,), jnp.int32),
            pltpu.VMEM((_E,), jnp.int32),
            pltpu.VMEM((16,), jnp.float32),
        ],
    )
    def adj_kernel(ei_hbm, out_hbm, ei_v, flat_v, acc_v):
        wid = lax.axis_index("s") * 2 + lax.axis_index("c")
        pltpu.sync_copy(ei_hbm, ei_v)
        flats = []
        for k in range(_E // 16):
            sl = pl.ds(16 * k, 16)
            flats.append(ei_v[pl.ds(_E + 16 * k, 16)] * _N + ei_v[sl])
        lanes = lax.iota(jnp.int32, 16)
        for chunk in (wid, wid + 32):
            row = chunk // 2
            c0 = 16 * (chunk % 2)
            acc = jnp.zeros((16,), jnp.int32)
            for j in range(16):
                c_splat = jnp.zeros((16,), jnp.int32) + (row * _N + c0 + j)
                cnt = jnp.zeros((16,), jnp.int32)
                for f in flats:
                    cnt = cnt + plsc.all_reduce_population_count(f == c_splat)
                acc = jnp.where(lanes == j, cnt, acc)
            acc_v[...] = acc.astype(jnp.float32)
            pltpu.sync_copy(acc_v, out_hbm.at[row, pl.ds(c0, 16)])

    return adj_kernel(edge_flat)


def _gcn_kernel(acnt_ref, mask_ref, feats_ref, wpad_ref, bpad_ref,
                w1_ref, b1_ref, w2_ref, b2_ref, out_ref):
    f32 = jnp.float32
    eye = (jax.lax.broadcasted_iota(jnp.int32, (_N, _N), 0)
           == jax.lax.broadcasted_iota(jnp.int32, (_N, _N), 1)).astype(f32)
    a_cnt = acnt_ref[...][:_N, :_N]
    deg = jnp.sum(a_cnt, axis=1, keepdims=True) + 1.0
    dinv = jax.lax.rsqrt(deg)
    a_hat = (a_cnt + eye) * dinv * jnp.transpose(dinv)

    xm = feats_ref[...] * mask_ref[...][:, None, :]
    xs = jax.lax.dot_general(xm, wpad_ref[...],
                             (((2,), (1,)), ((0,), (0,))),
                             preferred_element_type=f32)
    xs = jnp.maximum(xs + bpad_ref[...][:, None, :], 0.0)

    h1 = jax.lax.dot_general(xs, w1_ref[...],
                             (((2,), (0,)), ((), ())),
                             preferred_element_type=f32)
    p1 = jax.lax.dot_general(a_hat, h1, (((1,), (0,)), ((), ())),
                             preferred_element_type=f32)
    x1 = jnp.maximum(p1 + b1_ref[...][None, :, :], 0.0)

    h2 = jax.lax.dot_general(x1 + xs, w2_ref[...],
                             (((2,), (0,)), ((), ())),
                             preferred_element_type=f32)
    p2 = jax.lax.dot_general(a_hat, h2, (((1,), (0,)), ((), ())),
                             preferred_element_type=f32)
    x2 = jnp.maximum(p2 + b2_ref[...][None, :, :], 0.0)

    x_out = x2 + x1
    for n in range(_N):
        out_ref[:, n, :] = x_out[n]


def kernel(feature_list_byAgentIdx, edge_index, W_pad, b_pad, W1, b1, W2, b2):
    B = feature_list_byAgentIdx.shape[1]
    mask = jnp.asarray(_MASK)
    grid = B // _BB

    tbl = _build_adj(edge_index.reshape(2 * _E))

    return pl.pallas_call(
        _gcn_kernel,
        grid=(grid,),
        in_specs=[
            pl.BlockSpec((_TBL, _TBL), lambda i: (0, 0)),
            pl.BlockSpec((_N, _F), lambda i: (0, 0)),
            pl.BlockSpec((_N, _BB, _F), lambda i: (0, i, 0)),
            pl.BlockSpec((_N, _F, _P), lambda i: (0, 0, 0)),
            pl.BlockSpec((_N, _P), lambda i: (0, 0)),
            pl.BlockSpec((_P, _P), lambda i: (0, 0)),
            pl.BlockSpec((1, _P), lambda i: (0, 0)),
            pl.BlockSpec((_P, _P), lambda i: (0, 0)),
            pl.BlockSpec((1, _P), lambda i: (0, 0)),
        ],
        out_specs=pl.BlockSpec((_BB, _N, _P), lambda i: (i, 0, 0)),
        out_shape=jax.ShapeDtypeStruct((B, _N, _P), jnp.float32),
    )(tbl, mask, feature_list_byAgentIdx,
      W_pad, b_pad,
      W1, b1.reshape(1, _P),
      W2, b2.reshape(1, _P))

# --- scband reference (transcript-rebuilt; emitter-appended) ---
"""Pipeline reference for scband-gcnwith-residual-1924145348636 (READ-ONLY COPY).

The authoritative reference and input builder live on the scoring server;
editing this copy changes nothing except your own understanding.
"""

import jax, jax.numpy as jnp
import numpy as np

RAW_DIMS = np.array([58, 58, 58, 82, 82, 82, 82, 58, 58, 58, 74, 58, 58, 58, 58, 58, 58, 74])
NODE_CNT = 18
PAD = 256
B = 1024
E = 128


def setup_inputs(seed: int = 0) -> dict:
    key = jax.random.key(seed)
    k = jax.random.split(key, 8)
    feats = jax.random.normal(k[0], (NODE_CNT, B, 82), dtype=jnp.float32)
    edge_index = jax.random.randint(k[1], (2, E), 0, NODE_CNT, dtype=jnp.int32)
    W_pad = jax.random.normal(k[2], (NODE_CNT, 82, PAD), dtype=jnp.float32) * 0.05
    b_pad = jnp.zeros((NODE_CNT, PAD), dtype=jnp.float32)
    W1 = jax.random.normal(k[3], (PAD, PAD), dtype=jnp.float32) * (1.0 / np.sqrt(PAD))
    b1 = jnp.zeros((PAD,), dtype=jnp.float32)
    W2 = jax.random.normal(k[4], (PAD, PAD), dtype=jnp.float32) * (1.0 / np.sqrt(PAD))
    b2 = jnp.zeros((PAD,), dtype=jnp.float32)
    return {"feature_list_byAgentIdx": feats, "edge_index": edge_index,
            "W_pad": W_pad, "b_pad": b_pad, "W1": W1, "b1": b1, "W2": W2, "b2": b2}


def _gcn_norm(edge_index, num_nodes):
    loop = jnp.arange(num_nodes, dtype=edge_index.dtype)
    src = jnp.concatenate([edge_index[0], loop])
    dst = jnp.concatenate([edge_index[1], loop])
    deg = jnp.zeros((num_nodes,), jnp.float32).at[dst].add(1.0)
    dinv = 1.0 / jnp.sqrt(deg)
    norm = dinv[src] * dinv[dst]
    return src, dst, norm


def _gcn_conv(x, src, dst, norm, W, b):
    # PyG GCNConv: h = x @ W, then D^-1/2 (A+I) D^-1/2 propagate, then + bias
    h = x @ W  # [B, N, d]
    msg = h[:, src, :] * norm[None, :, None]
    out = jnp.zeros_like(h).at[:, dst, :].add(msg)
    return out + b


def reference(feature_list_byAgentIdx, edge_index, W_pad, b_pad, W1, b1, W2, b2):
    # Per-node feature padding linears. The torch module slices each agent's raw
    # feature width; here we mask columns beyond raw_dim (equivalent math).
    mask = (jnp.arange(82)[None, :] < jnp.asarray(RAW_DIMS)[:, None]).astype(jnp.float32)
    xm = feature_list_byAgentIdx * mask[:, None, :]  # [18, B, 82]
    xs = jax.nn.relu(jnp.einsum('nbr,nrp->nbp', xm, W_pad) + b_pad[:, None, :])  # [18, B, PAD]
    xs = jnp.transpose(xs, (1, 0, 2))  # [B, 18, PAD]
    src, dst, norm = _gcn_norm(edge_index, NODE_CNT)
    x1 = jax.nn.relu(_gcn_conv(xs, src, dst, norm, W1, b1))
    x2 = jax.nn.relu(_gcn_conv(x1 + xs, src, dst, norm, W2, b2))
    x_out = x2 + x1
    # to_dense_batch: all graphs have exactly NODE_CNT nodes -> already dense [B, 18, num_out]
    return x_out

if __name__ == "__main__":
    import jax
    _d = setup_inputs()
    print(jax.jit(kernel)(*tuple(_d.values())))

</pallas_src>

<mosaic_0001>
#map = affine_map<(d0, d1) -> (0)>
#map1 = affine_map<(d0, d1) -> (0, 0)>
module attributes {stable_mosaic.version = 14 : i64} {
  func.func @adj_kernel(%arg0: i32, %arg1: i32, %arg2: memref<256xi32, #tpu.memory_space<hbm>>, %arg3: memref<32x32xf32, #tpu.memory_space<hbm>>, %arg4: memref<256xi32, #tpu.memory_space<vmem>>, %arg5: memref<128xi32, #tpu.memory_space<vmem>>, %arg6: memref<16xf32, #tpu.memory_space<vmem>>) attributes {dimension_semantics = [#tpu.dimension_semantics<core_parallel>, #tpu.dimension_semantics<subcore_parallel>], iteration_bounds = array<i64: 2, 16>, scalar_prefetch = 0 : i64, scratch_operands = 3 : i64, tpu.core_type = #tpu.core_type<sc_vector_subcore>, window_params = [{transform_indices = #map}, {transform_indices = #map1}]} {
    %mul3A = arith.constant 2 : i32
    %mul3A_0 = arith.muli %arg1, %mul3A : i32
    %add3A = arith.addi %mul3A_0, %arg0 : i32
    "tpu.region"() ({
      %run_scoped3A = tpu.sem_alloc : memref<!tpu.dma_semaphore, #tpu.memory_space<semaphore_mem>>
      tpu.enqueue_dma source(%arg2 : memref<256xi32, #tpu.memory_space<hbm>>) target(%arg4 : memref<256xi32, #tpu.memory_space<vmem>>) target_semaphore(%run_scoped3A : memref<!tpu.dma_semaphore, #tpu.memory_space<semaphore_mem>>)
      tpu.wait_dma2 semaphore(%run_scoped3A : memref<!tpu.dma_semaphore, #tpu.memory_space<semaphore_mem>>) src(%arg2 : memref<256xi32, #tpu.memory_space<hbm>>) dst(%arg4 : memref<256xi32, #tpu.memory_space<vmem>>)
      tpu.yield
    }) : () -> ()
    %get3A = arith.constant 128 : index
    %get3A_1 = tpu.vector_load %arg4[%get3A] {strides = array<i32>} : memref<256xi32, #tpu.memory_space<vmem>>, vector<16xi32>,
    %mul3A_2 = arith.constant 18 : i32
    %mul3A_3 = vector.broadcast %mul3A_2 : i32 to vector<16xi32>
    %mul3A_4 = arith.muli %get3A_1, %mul3A_3 : vector<16xi32>
    %get3A_5 = arith.constant 0 : index
    %get3A_6 = tpu.vector_load %arg4[%get3A_5] {strides = array<i32>} : memref<256xi32, #tpu.memory_space<vmem>>, vector<16xi32>,
    %add3A_7 = arith.addi %mul3A_4, %get3A_6 : vector<16xi32>
    %get3A_8 = arith.constant 144 : index
    %get3A_9 = tpu.vector_load %arg4[%get3A_8] {strides = array<i32>} : memref<256xi32, #tpu.memory_space<vmem>>, vector<16xi32>,
    %mul3A_10 = arith.constant 18 : i32
    %mul3A_11 = vector.broadcast %mul3A_10 : i32 to vector<16xi32>
    %mul3A_12 = arith.muli %get3A_9, %mul3A_11 : vector<16xi32>
    %get3A_13 = arith.constant 16 : index
    %get3A_14 = tpu.vector_load %arg4[%get3A_13] {strides = array<i32>} : memref<256xi32, #tpu.memory_space<vmem>>, vector<16xi32>,
    %add3A_15 = arith.addi %mul3A_12, %get3A_14 : vector<16xi32>
    %get3A_16 = arith.constant 160 : index
    %get3A_17 = tpu.vector_load %arg4[%get3A_16] {strides = array<i32>} : memref<256xi32, #tpu.memory_space<vmem>>, vector<16xi32>,
    %mul3A_18 = arith.constant 18 : i32
    %mul3A_19 = vector.broadcast %mul3A_18 : i32 to vector<16xi32>
    %mul3A_20 = arith.muli %get3A_17, %mul3A_19 : vector<16xi32>
    %get3A_21 = arith.constant 32 : index
    %get3A_22 = tpu.vector_load %arg4[%get3A_21] {strides = array<i32>} : memref<256xi32, #tpu.memory_space<vmem>>, vector<16xi32>,
    %add3A_23 = arith.addi %mul3A_20, %get3A_22 : vector<16xi32>
    %get3A_24 = arith.constant 176 : index
    %get3A_25 = tpu.vector_load %arg4[%get3A_24] {strides = array<i32>} : memref<256xi32, #tpu.memory_space<vmem>>, vector<16xi32>,
    %mul3A_26 = arith.constant 18 : i32
    %mul3A_27 = vector.broadcast %mul3A_26 : i32 to vector<16xi32>
    %mul3A_28 = arith.muli %get3A_25, %mul3A_27 : vector<16xi32>
    %get3A_29 = arith.constant 48 : index
    %get3A_30 = tpu.vector_load %arg4[%get3A_29] {strides = array<i32>} : memref<256xi32, #tpu.memory_space<vmem>>, vector<16xi32>,
    %add3A_31 = arith.addi %mul3A_28, %get3A_30 : vector<16xi32>
    %get3A_32 = arith.constant 192 : index
    %get3A_33 = tpu.vector_load %arg4[%get3A_32] {strides = array<i32>} : memref<256xi32, #tpu.memory_space<vmem>>, vector<16xi32>,
    %mul3A_34 = arith.constant 18 : i32
    %mul3A_35 = vector.broadcast %mul3A_34 : i32 to vector<16xi32>
    %mul3A_36 = arith.muli %get3A_33, %mul3A_35 : vector<16xi32>
    %get3A_37 = arith.constant 64 : index
    %get3A_38 = tpu.vector_load %arg4[%get3A_37] {strides = array<i32>} : memref<256xi32, #tpu.memory_space<vmem>>, vector<16xi32>,
    %add3A_39 = arith.addi %mul3A_36, %get3A_38 : vector<16xi32>
    %get3A_40 = arith.constant 208 : index
    %get3A_41 = tpu.vector_load %arg4[%get3A_40] {strides = array<i32>} : memref<256xi32, #tpu.memory_space<vmem>>, vector<16xi32>,
    %mul3A_42 = arith.constant 18 : i32
    %mul3A_43 = vector.broadcast %mul3A_42 : i32 to vector<16xi32>
    %mul3A_44 = arith.muli %get3A_41, %mul3A_43 : vector<16xi32>
    %get3A_45 = arith.constant 80 : index
    %get3A_46 = tpu.vector_load %arg4[%get3A_45] {strides = array<i32>} : memref<256xi32, #tpu.memory_space<vmem>>, vector<16xi32>,
    %add3A_47 = arith.addi %mul3A_44, %get3A_46 : vector<16xi32>
    %get3A_48 = arith.constant 224 : index
    %get3A_49 = tpu.vector_load %arg4[%get3A_48] {strides = array<i32>} : memref<256xi32, #tpu.memory_space<vmem>>, vector<16xi32>,
    %mul3A_50 = arith.constant 18 : i32
    %mul3A_51 = vector.broadcast %mul3A_50 : i32 to vector<16xi32>
    %mul3A_52 = arith.muli %get3A_49, %mul3A_51 : vector<16xi32>
    %get3A_53 = arith.constant 96 : index
    %get3A_54 = tpu.vector_load %arg4[%get3A_53] {strides = array<i32>} : memref<256xi32, #tpu.memory_space<vmem>>, vector<16xi32>,
    %add3A_55 = arith.addi %mul3A_52, %get3A_54 : vector<16xi32>
    %get3A_56 = arith.constant 240 : index
    %get3A_57 = tpu.vector_load %arg4[%get3A_56] {strides = array<i32>} : memref<256xi32, #tpu.memory_space<vmem>>, vector<16xi32>,
    %mul3A_58 = arith.constant 18 : i32
    %mul3A_59 = vector.broadcast %mul3A_58 : i32 to vector<16xi32>
    %mul3A_60 = arith.muli %get3A_57, %mul3A_59 : vector<16xi32>
    %get3A_61 = arith.constant 112 : index
    %get3A_62 = tpu.vector_load %arg4[%get3A_61] {strides = array<i32>} : memref<256xi32, #tpu.memory_space<vmem>>, vector<16xi32>,
    %add3A_63 = arith.addi %mul3A_60, %get3A_62 : vector<16xi32>
    %iota3A = tpu.iota {dimensions = array<i32: 0>} : vector<16xi32>
    %add3A_64 = arith.constant 32 : i32
    %add3A_65 = arith.addi %add3A, %add3A_64 : i32
    %jit3A = arith.constant 2 : i32
    %div3A = arith.divsi %add3A, %jit3A : i32
    %sign3A = arith.constant 0 : i32
    %sign3A_66 = arith.cmpi sgt, %add3A, %sign3A : i32
    %sign3A_67 = arith.extui %sign3A_66 : i1 to i32
    %sign3A_68 = arith.constant 0 : i32
    %sign3A_69 = arith.cmpi slt, %add3A, %sign3A_68 : i32
    %sign3A_70 = arith.extui %sign3A_69 : i1 to i32
    %sign3A_71 = arith.subi %sign3A_67, %sign3A_70 : i32
    %sign3A_72 = arith.constant 0 : i32
    %sign3A_73 = arith.cmpi sgt, %jit3A, %sign3A_72 : i32
    %sign3A_74 = arith.extui %sign3A_73 : i1 to i32
    %sign3A_75 = arith.constant 0 : i32
    %sign3A_76 = arith.cmpi slt, %jit3A, %sign3A_75 : i32
    %sign3A_77 = arith.extui %sign3A_76 : i1 to i32
    %sign3A_78 = arith.subi %sign3A_74, %sign3A_77 : i32
    %ne3A = arith.cmpi ne, %sign3A_71, %sign3A_78 : i32
    %rem3A = arith.remsi %add3A, %jit3A : i32
    %ne3A_79 = arith.constant 0 : i32
    %ne3A_80 = arith.cmpi ne, %rem3A, %ne3A_79 : i32
    %and3A = arith.andi %ne3A, %ne3A_80 : i1
    %sub3A = arith.constant 1 : i32
    %sub3A_81 = arith.subi %div3A, %sub3A : i32
    %select_n3A = arith.select %and3A, %sub3A_81, %div3A : i32
    %jit3A_82 = arith.constant 2 : i32
    %eq3A = arith.constant 0 : i32
    %eq3A_83 = arith.cmpi eq, %jit3A_82, %eq3A : i32
    %jit3A_84 = arith.constant 1 : i32
    %select_n3A_85 = arith.select %eq3A_83, %jit3A_84, %jit3A_82 : i32
    %rem3A_86 = arith.remsi %add3A, %select_n3A_85 : i32
    %ne3A_87 = arith.constant 0 : i32
    %ne3A_88 = arith.cmpi ne, %rem3A_86, %ne3A_87 : i32
    %lt3A = arith.constant 0 : i32
    %lt3A_89 = arith.cmpi slt, %rem3A_86, %lt3A : i32
    %lt3A_90 = arith.constant 0 : i32
    %lt3A_91 = arith.cmpi slt, %select_n3A_85, %lt3A_90 : i32
    %ne3A_92 = arith.xori %lt3A_89, %lt3A_91 : i1
    %and3A_93 = arith.andi %ne3A_92, %ne3A_88 : i1
    %add3A_94 = arith.addi %rem3A_86, %select_n3A_85 : i32
    %select_n3A_95 = arith.select %and3A_93, %add3A_94, %rem3A_86 : i32
    %mul3A_96 = arith.constant 16 : i32
    %mul3A_97 = arith.muli %mul3A_96, %select_n3A_95 : i32
    %broadcast_in_dim3A = arith.constant 0 : i32
    %broadcast_in_dim3A_98 = vector.broadcast %broadcast_in_dim3A : i32 to vector<16xi32>
    %broadcast_in_dim3A_99 = arith.constant 0 : i32
    %broadcast_in_dim3A_100 = vector.broadcast %broadcast_in_dim3A_99 : i32 to vector<16xi32>
    %mul3A_101 = arith.constant 18 : i32
    %mul3A_102 = arith.muli %select_n3A, %mul3A_101 : i32
    %add3A_103 = arith.addi %mul3A_102, %mul3A_97 : i32
    %add3A_104 = arith.constant 0 : i32
    %add3A_105 = arith.addi %add3A_103, %add3A_104 : i32
    %add3A_106 = vector.broadcast %add3A_105 : i32 to vector<16xi32>
    %add3A_107 = arith.addi %broadcast_in_dim3A_100, %add3A_106 : vector<16xi32>
    %broadcast_in_dim3A_108 = arith.constant 0 : i32
    %broadcast_in_dim3A_109 = vector.broadcast %broadcast_in_dim3A_108 : i32 to vector<16xi32>
    %eq3A_110 = arith.cmpi eq, %add3A_7, %add3A_107 : vector<16xi32>
    %all_reduce_population_count3A = tpu.all_reduce %eq3A_110 {dim = 0 : i64, kind = #tpu.reduction_kind<sum>} : vector<16xi1> -> vector<16xi32>
    %add3A_111 = arith.addi %broadcast_in_dim3A_109, %all_reduce_population_count3A : vector<16xi32>
    %eq3A_112 = arith.cmpi eq, %add3A_15, %add3A_107 : vector<16xi32>
    %all_reduce_population_count3A_113 = tpu.all_reduce %eq3A_112 {dim = 0 : i64, kind = #tpu.reduction_kind<sum>} : vector<16xi1> -> vector<16xi32>
    %add3A_114 = arith.addi %add3A_111, %all_reduce_population_count3A_113 : vector<16xi32>
    %eq3A_115 = arith.cmpi eq, %add3A_23, %add3A_107 : vector<16xi32>
    %all_reduce_population_count3A_116 = tpu.all_reduce %eq3A_115 {dim = 0 : i64, kind = #tpu.reduction_kind<sum>} : vector<16xi1> -> vector<16xi32>
    %add3A_117 = arith.addi %add3A_114, %all_reduce_population_count3A_116 : vector<16xi32>
    %eq3A_118 = arith.cmpi eq, %add3A_31, %add3A_107 : vector<16xi32>
    %all_reduce_population_count3A_119 = tpu.all_reduce %eq3A_118 {dim = 0 : i64, kind = #tpu.reduction_kind<sum>} : vector<16xi1> -> vector<16xi32>
    %add3A_120 = arith.addi %add3A_117, %all_reduce_population_count3A_119 : vector<16xi32>
    %eq3A_121 = arith.cmpi eq, %add3A_39, %add3A_107 : vector<16xi32>
    %all_reduce_population_count3A_122 = tpu.all_reduce %eq3A_121 {dim = 0 : i64, kind = #tpu.reduction_kind<sum>} : vector<16xi1> -> vector<16xi32>
    %add3A_123 = arith.addi %add3A_120, %all_reduce_population_count3A_122 : vector<16xi32>
    %eq3A_124 = arith.cmpi eq, %add3A_47, %add3A_107 : vector<16xi32>
    %all_reduce_population_count3A_125 = tpu.all_reduce %eq3A_124 {dim = 0 : i64, kind = #tpu.reduction_kind<sum>} : vector<16xi1> -> vector<16xi32>
    %add3A_126 = arith.addi %add3A_123, %all_reduce_population_count3A_125 : vector<16xi32>
    %eq3A_127 = arith.cmpi eq, %add3A_55, %add3A_107 : vector<16xi32>
    %all_reduce_population_count3A_128 = tpu.all_reduce %eq3A_127 {dim = 0 : i64, kind = #tpu.reduction_kind<sum>} : vector<16xi1> -> vector<16xi32>
    %add3A_129 = arith.addi %add3A_126, %all_reduce_population_count3A_128 : vector<16xi32>
    %eq3A_130 = arith.cmpi eq, %add3A_63, %add3A_107 : vector<16xi32>
    %all_reduce_population_count3A_131 = tpu.all_reduce %eq3A_130 {dim = 0 : i64, kind = #tpu.reduction_kind<sum>} : vector<16xi1> -> vector<16xi32>
    %add3A_132 = arith.addi %add3A_129, %all_reduce_population_count3A_131 : vector<16xi32>
    %eq3A_133 = arith.constant 0 : i32
    %eq3A_134 = vector.broadcast %eq3A_133 : i32 to vector<16xi32>
    %eq3A_135 = arith.cmpi eq, %iota3A, %eq3A_134 : vector<16xi32>
    %select_n3A_136 = arith.select %eq3A_135, %add3A_132, %broadcast_in_dim3A_98 : vector<16xi1>, vector<16xi32>
    %broadcast_in_dim3A_137 = arith.constant 0 : i32
    %broadcast_in_dim3A_138 = vector.broadcast %broadcast_in_dim3A_137 : i32 to vector<16xi32>
    %mul3A_139 = arith.constant 18 : i32
    %mul3A_140 = arith.muli %select_n3A, %mul3A_139 : i32
    %add3A_141 = arith.addi %mul3A_140, %mul3A_97 : i32
    %add3A_142 = arith.constant 1 : i32
    %add3A_143 = arith.addi %add3A_141, %add3A_142 : i32
    %add3A_144 = vector.broadcast %add3A_143 : i32 to vector<16xi32>
    %add3A_145 = arith.addi %broadcast_in_dim3A_138, %add3A_144 : vector<16xi32>
    %broadcast_in_dim3A_146 = arith.constant 0 : i32
    %broadcast_in_dim3A_147 = vector.broadcast %broadcast_in_dim3A_146 : i32 to vector<16xi32>
    %eq3A_148 = arith.cmpi eq, %add3A_7, %add3A_145 : vector<16xi32>
    %all_reduce_population_count3A_149 = tpu.all_reduce %eq3A_148 {dim = 0 : i64, kind = #tpu.reduction_kind<sum>} : vector<16xi1> -> vector<16xi32>
    %add3A_150 = arith.addi %broadcast_in_dim3A_147, %all_reduce_population_count3A_149 : vector<16xi32>
    %eq3A_151 = arith.cmpi eq, %add3A_15, %add3A_145 : vector<16xi32>
    %all_reduce_population_count3A_152 = tpu.all_reduce %eq3A_151 {dim = 0 : i64, kind = #tpu.reduction_kind<sum>} : vector<16xi1> -> vector<16xi32>
    %add3A_153 = arith.addi %add3A_150, %all_reduce_population_count3A_152 : vector<16xi32>
    %eq3A_154 = arith.cmpi eq, %add3A_23, %add3A_145 : vector<16xi32>
    %all_reduce_population_count3A_155 = tpu.all_reduce %eq3A_154 {dim = 0 : i64, kind = #tpu.reduction_kind<sum>} : vector<16xi1> -> vector<16xi32>
    %add3A_156 = arith.addi %add3A_153, %all_reduce_population_count3A_155 : vector<16xi32>
    %eq3A_157 = arith.cmpi eq, %add3A_31, %add3A_145 : vector<16xi32>
    %all_reduce_population_count3A_158 = tpu.all_reduce %eq3A_157 {dim = 0 : i64, kind = #tpu.reduction_kind<sum>} : vector<16xi1> -> vector<16xi32>
    %add3A_159 = arith.addi %add3A_156, %all_reduce_population_count3A_158 : vector<16xi32>
    %eq3A_160 = arith.cmpi eq, %add3A_39, %add3A_145 : vector<16xi32>
    %all_reduce_population_count3A_161 = tpu.all_reduce %eq3A_160 {dim = 0 : i64, kind = #tpu.reduction_kind<sum>} : vector<16xi1> -> vector<16xi32>
    %add3A_162 = arith.addi %add3A_159, %all_reduce_population_count3A_161 : vector<16xi32>
    %eq3A_163 = arith.cmpi eq, %add3A_47, %add3A_145 : vector<16xi32>
    %all_reduce_population_count3A_164 = tpu.all_reduce %eq3A_163 {dim = 0 : i64, kind = #tpu.reduction_kind<sum>} : vector<16xi1> -> vector<16xi32>
    %add3A_165 = arith.addi %add3A_162, %all_reduce_population_count3A_164 : vector<16xi32>
    %eq3A_166 = arith.cmpi eq, %add3A_55, %add3A_145 : vector<16xi32>
    %all_reduce_population_count3A_167 = tpu.all_reduce %eq3A_166 {dim = 0 : i64, kind = #tpu.reduction_kind<sum>} : vector<16xi1> -> vector<16xi32>
    %add3A_168 = arith.addi %add3A_165, %all_reduce_population_count3A_167 : vector<16xi32>
    %eq3A_169 = arith.cmpi eq, %add3A_63, %add3A_145 : vector<16xi32>
    %all_reduce_population_count3A_170 = tpu.all_reduce %eq3A_169 {dim = 0 : i64, kind = #tpu.reduction_kind<sum>} : vector<16xi1> -> vector<16xi32>
    %add3A_171 = arith.addi %add3A_168, %all_reduce_population_count3A_170 : vector<16xi32>
    %eq3A_172 = arith.constant 1 : i32
    %eq3A_173 = vector.broadcast %eq3A_172 : i32 to vector<16xi32>
    %eq3A_174 = arith.cmpi eq, %iota3A, %eq3A_173 : vector<16xi32>
    %select_n3A_175 = arith.select %eq3A_174, %add3A_171, %select_n3A_136 : vector<16xi1>, vector<16xi32>
    %broadcast_in_dim3A_176 = arith.constant 0 : i32
    %broadcast_in_dim3A_177 = vector.broadcast %broadcast_in_dim3A_176 : i32 to vector<16xi32>
    %mul3A_178 = arith.constant 18 : i32
    %mul3A_179 = arith.muli %select_n3A, %mul3A_178 : i32
    %add3A_180 = arith.addi %mul3A_179, %mul3A_97 : i32
    %add3A_181 = arith.constant 2 : i32
    %add3A_182 = arith.addi %add3A_180, %add3A_181 : i32
    %add3A_183 = vector.broadcast %add3A_182 : i32 to vector<16xi32>
    %add3A_184 = arith.addi %broadcast_in_dim3A_177, %add3A_183 : vector<16xi32>
    %broadcast_in_dim3A_185 = arith.constant 0 : i32
    %broadcast_in_dim3A_186 = vector.broadcast %broadcast_in_dim3A_185 : i32 to vector<16xi32>
    %eq3A_187 = arith.cmpi eq, %add3A_7, %add3A_184 : vector<16xi32>
    %all_reduce_population_count3A_188 = tpu.all_reduce %eq3A_187 {dim = 0 : i64, kind = #tpu.reduction_kind<sum>} : vector<16xi1> -> vector<16xi32>
    %add3A_189 = arith.addi %broadcast_in_dim3A_186, %all_reduce_population_count3A_188 : vector<16xi32>
    %eq3A_190 = arith.cmpi eq, %add3A_15, %add3A_184 : vector<16xi32>
    %all_reduce_population_count3A_191 = tpu.all_reduce %eq3A_190 {dim = 0 : i64, kind = #tpu.reduction_kind<sum>} : vector<16xi1> -> vector<16xi32>
    %add3A_192 = arith.addi %add3A_189, %all_reduce_population_count3A_191 : vector<16xi32>
    %eq3A_193 = arith.cmpi eq, %add3A_23, %add3A_184 : vector<16xi32>
    %all_reduce_population_count3A_194 = tpu.all_reduce %eq3A_193 {dim = 0 : i64, kind = #tpu.reduction_kind<sum>} : vector<16xi1> -> vector<16xi32>
    %add3A_195 = arith.addi %add3A_192, %all_reduce_population_count3A_194 : vector<16xi32>
    %eq3A_196 = arith.cmpi eq, %add3A_31, %add3A_184 : vector<16xi32>
    %all_reduce_population_count3A_197 = tpu.all_reduce %eq3A_196 {dim = 0 : i64, kind = #tpu.reduction_kind<sum>} : vector<16xi1> -> vector<16xi32>
    %add3A_198 = arith.addi %add3A_195, %all_reduce_population_count3A_197 : vector<16xi32>
    %eq3A_199 = arith.cmpi eq, %add3A_39, %add3A_184 : vector<16xi32>
    %all_reduce_population_count3A_200 = tpu.all_reduce %eq3A_199 {dim = 0 : i64, kind = #tpu.reduction_kind<sum>} : vector<16xi1> -> vector<16xi32>
    %add3A_201 = arith.addi %add3A_198, %all_reduce_population_count3A_200 : vector<16xi32>
    %eq3A_202 = arith.cmpi eq, %add3A_47, %add3A_184 : vector<16xi32>
    %all_reduce_population_count3A_203 = tpu.all_reduce %eq3A_202 {dim = 0 : i64, kind = #tpu.reduction_kind<sum>} : vector<16xi1> -> vector<16xi32>
    %add3A_204 = arith.addi %add3A_201, %all_reduce_population_count3A_203 : vector<16xi32>
    %eq3A_205 = arith.cmpi eq, %add3A_55, %add3A_184 : vector<16xi32>
    %all_reduce_population_count3A_206 = tpu.all_reduce %eq3A_205 {dim = 0 : i64, kind = #tpu.reduction_kind<sum>} : vector<16xi1> -> vector<16xi32>
    %add3A_207 = arith.addi %add3A_204, %all_reduce_population_count3A_206 : vector<16xi32>
    %eq3A_208 = arith.cmpi eq, %add3A_63, %add3A_184 : vector<16xi32>
    %all_reduce_population_count3A_209 = tpu.all_reduce %eq3A_208 {dim = 0 : i64, kind = #tpu.reduction_kind<sum>} : vector<16xi1> -> vector<16xi32>
    %add3A_210 = arith.addi %add3A_207, %all_reduce_population_count3A_209 : vector<16xi32>
    %eq3A_211 = arith.constant 2 : i32
    %eq3A_212 = vector.broadcast %eq3A_211 : i32 to vector<16xi32>
    %eq3A_213 = arith.cmpi eq, %iota3A, %eq3A_212 : vector<16xi32>
    %select_n3A_214 = arith.select %eq3A_213, %add3A_210, %select_n3A_175 : vector<16xi1>, vector<16xi32>
    %broadcast_in_dim3A_215 = arith.constant 0 : i32
    %broadcast_in_dim3A_216 = vector.broadcast %broadcast_in_dim3A_215 : i32 to vector<16xi32>
    %mul3A_217 = arith.constant 18 : i32
    %mul3A_218 = arith.muli %select_n3A, %mul3A_217 : i32
    %add3A_219 = arith.addi %mul3A_218, %mul3A_97 : i32
    %add3A_220 = arith.constant 3 : i32
    %add3A_221 = arith.addi %add3A_219, %add3A_220 : i32
    %add3A_222 = vector.broadcast %add3A_221 : i32 to vector<16xi32>
    %add3A_223 = arith.addi %broadcast_in_dim3A_216, %add3A_222 : vector<16xi32>
    %broadcast_in_dim3A_224 = arith.constant 0 : i32
    %broadcast_in_dim3A_225 = vector.broadcast %broadcast_in_dim3A_224 : i32 to vector<16xi32>
    %eq3A_226 = arith.cmpi eq, %add3A_7, %add3A_223 : vector<16xi32>
    %all_reduce_population_count3A_227 = tpu.all_reduce %eq3A_226 {dim = 0 : i64, kind = #tpu.reduction_kind<sum>} : vector<16xi1> -> vector<16xi32>
    %add3A_228 = arith.addi %broadcast_in_dim3A_225, %all_reduce_population_count3A_227 : vector<16xi32>
    %eq3A_229 = arith.cmpi eq, %add3A_15, %add3A_223 : vector<16xi32>
    %all_reduce_population_count3A_230 = tpu.all_reduce %eq3A_229 {dim = 0 : i64, kind = #tpu.reduction_kind<sum>} : vector<16xi1> -> vector<16xi32>
    %add3A_231 = arith.addi %add3A_228, %all_reduce_population_count3A_230 : vector<16xi32>
    %eq3A_232 = arith.cmpi eq, %add3A_23, %add3A_223 : vector<16xi32>
    %all_reduce_population_count3A_233 = tpu.all_reduce %eq3A_232 {dim = 0 : i64, kind = #tpu.reduction_kind<sum>} : vector<16xi1> -> vector<16xi32>
    %add3A_234 = arith.addi %add3A_231, %all_reduce_population_count3A_233 : vector<16xi32>
    %eq3A_235 = arith.cmpi eq, %add3A_31, %add3A_223 : vector<16xi32>
    %all_reduce_population_count3A_236 = tpu.all_reduce %eq3A_235 {dim = 0 : i64, kind = #tpu.reduction_kind<sum>} : vector<16xi1> -> vector<16xi32>
    %add3A_237 = arith.addi %add3A_234, %all_reduce_population_count3A_236 : vector<16xi32>
    %eq3A_238 = arith.cmpi eq, %add3A_39, %add3A_223 : vector<16xi32>
    %all_reduce_population_count3A_239 = tpu.all_reduce %eq3A_238 {dim = 0 : i64, kind = #tpu.reduction_kind<sum>} : vector<16xi1> -> vector<16xi32>
    %add3A_240 = arith.addi %add3A_237, %all_reduce_population_count3A_239 : vector<16xi32>
    %eq3A_241 = arith.cmpi eq, %add3A_47, %add3A_223 : vector<16xi32>
    %all_reduce_population_count3A_242 = tpu.all_reduce %eq3A_241 {dim = 0 : i64, kind = #tpu.reduction_kind<sum>} : vector<16xi1> -> vector<16xi32>
    %add3A_243 = arith.addi %add3A_240, %all_reduce_population_count3A_242 : vector<16xi32>
    %eq3A_244 = arith.cmpi eq, %add3A_55, %add3A_223 : vector<16xi32>
    %all_reduce_population_count3A_245 = tpu.all_reduce %eq3A_244 {dim = 0 : i64, kind = #tpu.reduction_kind<sum>} : vector<16xi1> -> vector<16xi32>
    %add3A_246 = arith.addi %add3A_243, %all_reduce_population_count3A_245 : vector<16xi32>
    %eq3A_247 = arith.cmpi eq, %add3A_63, %add3A_223 : vector<16xi32>
    %all_reduce_population_count3A_248 = tpu.all_reduce %eq3A_247 {dim = 0 : i64, kind = #tpu.reduction_kind<sum>} : vector<16xi1> -> vector<16xi32>
    %add3A_249 = arith.addi %add3A_246, %all_reduce_population_count3A_248 : vector<16xi32>
    %eq3A_250 = arith.constant 3 : i32
    %eq3A_251 = vector.broadcast %eq3A_250 : i32 to vector<16xi32>
    %eq3A_252 = arith.cmpi eq, %iota3A, %eq3A_251 : vector<16xi32>
    %select_n3A_253 = arith.select %eq3A_252, %add3A_249, %select_n3A_214 : vector<16xi1>, vector<16xi32>
    %broadcast_in_dim3A_254 = arith.constant 0 : i32
    %broadcast_in_dim3A_255 = vector.broadcast %broadcast_in_dim3A_254 : i32 to vector<16xi32>
    %mul3A_256 = arith.constant 18 : i32
    %mul3A_257 = arith.muli %select_n3A, %mul3A_256 : i32
    %add3A_258 = arith.addi %mul3A_257, %mul3A_97 : i32
    %add3A_259 = arith.constant 4 : i32
    %add3A_260 = arith.addi %add3A_258, %add3A_259 : i32
    %add3A_261 = vector.broadcast %add3A_260 : i32 to vector<16xi32>
    %add3A_262 = arith.addi %broadcast_in_dim3A_255, %add3A_261 : vector<16xi32>
    %broadcast_in_dim3A_263 = arith.constant 0 : i32
    %broadcast_in_dim3A_264 = vector.broadcast %broadcast_in_dim3A_263 : i32 to vector<16xi32>
    %eq3A_265 = arith.cmpi eq, %add3A_7, %add3A_262 : vector<16xi32>
    %all_reduce_population_count3A_266 = tpu.all_reduce %eq3A_265 {dim = 0 : i64, kind = #tpu.reduction_kind<sum>} : vector<16xi1> -> vector<16xi32>
    %add3A_267 = arith.addi %broadcast_in_dim3A_264, %all_reduce_population_count3A_266 : vector<16xi32>
    %eq3A_268 = arith.cmpi eq, %add3A_15, %add3A_262 : vector<16xi32>
    %all_reduce_population_count3A_269 = tpu.all_reduce %eq3A_268 {dim = 0 : i64, kind = #tpu.reduction_kind<sum>} : vector<16xi1> -> vector<16xi32>
    %add3A_270 = arith.addi %add3A_267, %all_reduce_population_count3A_269 : vector<16xi32>
    %eq3A_271 = arith.cmpi eq, %add3A_23, %add3A_262 : vector<16xi32>
    %all_reduce_population_count3A_272 = tpu.all_reduce %eq3A_271 {dim = 0 : i64, kind = #tpu.reduction_kind<sum>} : vector<16xi1> -> vector<16xi32>
    %add3A_273 = arith.addi %add3A_270, %all_reduce_population_count3A_272 : vector<16xi32>
    %eq3A_274 = arith.cmpi eq, %add3A_31, %add3A_262 : vector<16xi32>
    %all_reduce_population_count3A_275 = tpu.all_reduce %eq3A_274 {dim = 0 : i64, kind = #tpu.reduction_kind<sum>} : vector<16xi1> -> vector<16xi32>
    %add3A_276 = arith.addi %add3A_273, %all_reduce_population_count3A_275 : vector<16xi32>
    %eq3A_277 = arith.cmpi eq, %add3A_39, %add3A_262 : vector<16xi32>
    %all_reduce_population_count3A_278 = tpu.all_reduce %eq3A_277 {dim = 0 : i64, kind = #tpu.reduction_kind<sum>} : vector<16xi1> -> vector<16xi32>
    %add3A_279 = arith.addi %add3A_276, %all_reduce_population_count3A_278 : vector<16xi32>
    %eq3A_280 = arith.cmpi eq, %add3A_47, %add3A_262 : vector<16xi32>
    %all_reduce_population_count3A_281 = tpu.all_reduce %eq3A_280 {dim = 0 : i64, kind = #tpu.reduction_kind<sum>} : vector<16xi1> -> vector<16xi32>
    %add3A_282 = arith.addi %add3A_279, %all_reduce_population_count3A_281 : vector<16xi32>
    %eq3A_283 = arith.cmpi eq, %add3A_55, %add3A_262 : vector<16xi32>
    %all_reduce_population_count3A_284 = tpu.all_reduce %eq3A_283 {dim = 0 : i64, kind = #tpu.reduction_kind<sum>} : vector<16xi1> -> vector<16xi32>
    %add3A_285 = arith.addi %add3A_282, %all_reduce_population_count3A_284 : vector<16xi32>
    %eq3A_286 = arith.cmpi eq, %add3A_63, %add3A_262 : vector<16xi32>
    %all_reduce_population_count3A_287 = tpu.all_reduce %eq3A_286 {dim = 0 : i64, kind = #tpu.reduction_kind<sum>} : vector<16xi1> -> vector<16xi32>
    %add3A_288 = arith.addi %add3A_285, %all_reduce_population_count3A_287 : vector<16xi32>
    %eq3A_289 = arith.constant 4 : i32
    %eq3A_290 = vector.broadcast %eq3A_289 : i32 to vector<16xi32>
    %eq3A_291 = arith.cmpi eq, %iota3A, %eq3A_290 : vector<16xi32>
    %select_n3A_292 = arith.select %eq3A_291, %add3A_288, %select_n3A_253 : vector<16xi1>, vector<16xi32>
    %broadcast_in_dim3A_293 = arith.constant 0 : i32
    %broadcast_in_dim3A_294 = vector.broadcast %broadcast_in_dim3A_293 : i32 to vector<16xi32>
    %mul3A_295 = arith.constant 18 : i32
    %mul3A_296 = arith.muli %select_n3A, %mul3A_295 : i32
    %add3A_297 = arith.addi %mul3A_296, %mul3A_97 : i32
    %add3A_298 = arith.constant 5 : i32
    %add3A_299 = arith.addi %add3A_297, %add3A_298 : i32
    %add3A_300 = vector.broadcast %add3A_299 : i32 to vector<16xi32>
    %add3A_301 = arith.addi %broadcast_in_dim3A_294, %add3A_300 : vector<16xi32>
    %broadcast_in_dim3A_302 = arith.constant 0 : i32
    %broadcast_in_dim3A_303 = vector.broadcast %broadcast_in_dim3A_302 : i32 to vector<16xi32>
    %eq3A_304 = arith.cmpi eq, %add3A_7, %add3A_301 : vector<16xi32>
    %all_reduce_population_count3A_305 = tpu.all_reduce %eq3A_304 {dim = 0 : i64, kind = #tpu.reduction_kind<sum>} : vector<16xi1> -> vector<16xi32>
    %add3A_306 = arith.addi %broadcast_in_dim3A_303, %all_reduce_population_count3A_305 : vector<16xi32>
    %eq3A_307 = arith.cmpi eq, %add3A_15, %add3A_301 : vector<16xi32>
    %all_reduce_population_count3A_308 = tpu.all_reduce %eq3A_307 {dim = 0 : i64, kind = #tpu.reduction_kind<sum>} : vector<16xi1> -> vector<16xi32>
    %add3A_309 = arith.addi %add3A_306, %all_reduce_population_count3A_308 : vector<16xi32>
    %eq3A_310 = arith.cmpi eq, %add3A_23, %add3A_301 : vector<16xi32>
    %all_reduce_population_count3A_311 = tpu.all_reduce %eq3A_310 {dim = 0 : i64, kind = #tpu.reduction_kind<sum>} : vector<16xi1> -> vector<16xi32>
    %add3A_312 = arith.addi %add3A_309, %all_reduce_population_count3A_311 : vector<16xi32>
    %eq3A_313 = arith.cmpi eq, %add3A_31, %add3A_301 : vector<16xi32>
    %all_reduce_population_count3A_314 = tpu.all_reduce %eq3A_313 {dim = 0 : i64, kind = #tpu.reduction_kind<sum>} : vector<16xi1> -> vector<16xi32>
    %add3A_315 = arith.addi %add3A_312, %all_reduce_population_count3A_314 : vector<16xi32>
    %eq3A_316 = arith.cmpi eq, %add3A_39, %add3A_301 : vector<16xi32>
    %all_reduce_population_count3A_317 = tpu.all_reduce %eq3A_316 {dim = 0 : i64, kind = #tpu.reduction_kind<sum>} : vector<16xi1> -> vector<16xi32>
    %add3A_318 = arith.addi %add3A_315, %all_reduce_population_count3A_317 : vector<16xi32>
    %eq3A_319 = arith.cmpi eq, %add3A_47, %add3A_301 : vector<16xi32>
    %all_reduce_population_count3A_320 = tpu.all_reduce %eq3A_319 {dim = 0 : i64, kind = #tpu.reduction_kind<sum>} : vector<16xi1> -> vector<16xi32>
    %add3A_321 = arith.addi %add3A_318, %all_reduce_population_count3A_320 : vector<16xi32>
    %eq3A_322 = arith.cmpi eq, %add3A_55, %add3A_301 : vector<16xi32>
    %all_reduce_population_count3A_323 = tpu.all_reduce %eq3A_322 {dim = 0 : i64, kind = #tpu.reduction_kind<sum>} : vector<16xi1> -> vector<16xi32>
    %add3A_324 = arith.addi %add3A_321, %all_reduce_population_count3A_323 : vector<16xi32>
    %eq3A_325 = arith.cmpi eq, %add3A_63, %add3A_301 : vector<16xi32>
    %all_reduce_population_count3A_326 = tpu.all_reduce %eq3A_325 {dim = 0 : i64, kind = #tpu.reduction_kind<sum>} : vector<16xi1> -> vector<16xi32>
    %add3A_327 = arith.addi %add3A_324, %all_reduce_population_count3A_326 : vector<16xi32>
    %eq3A_328 = arith.constant 5 : i32
    %eq3A_329 = vector.broadcast %eq3A_328 : i32 to vector<16xi32>
    %eq3A_330 = arith.cmpi eq, %iota3A, %eq3A_329 : vector<16xi32>
    %select_n3A_331 = arith.select %eq3A_330, %add3A_327, %select_n3A_292 : vector<16xi1>, vector<16xi32>
    %broadcast_in_dim3A_332 = arith.constant 0 : i32
    %broadcast_in_dim3A_333 = vector.broadcast %broadcast_in_dim3A_332 : i32 to vector<16xi32>
    %mul3A_334 = arith.constant 18 : i32
    %mul3A_335 = arith.muli %select_n3A, %mul3A_334 : i32
    %add3A_336 = arith.addi %mul3A_335, %mul3A_97 : i32
    %add3A_337 = arith.constant 6 : i32
    %add3A_338 = arith.addi %add3A_336, %add3A_337 : i32
    %add3A_339 = vector.broadcast %add3A_338 : i32 to vector<16xi32>
    %add3A_340 = arith.addi %broadcast_in_dim3A_333, %add3A_339 : vector<16xi32>
    %broadcast_in_dim3A_341 = arith.constant 0 : i32
    %broadcast_in_dim3A_342 = vector.broadcast %broadcast_in_dim3A_341 : i32 to vector<16xi32>
    %eq3A_343 = arith.cmpi eq, %add3A_7, %add3A_340 : vector<16xi32>
    %all_reduce_population_count3A_344 = tpu.all_reduce %eq3A_343 {dim = 0 : i64, kind = #tpu.reduction_kind<sum>} : vector<16xi1> -> vector<16xi32>
    %add3A_345 = arith.addi %broadcast_in_dim3A_342, %all_reduce_population_count3A_344 : vector<16xi32>
    %eq3A_346 = arith.cmpi eq, %add3A_15, %add3A_340 : vector<16xi32>
    %all_reduce_population_count3A_347 = tpu.all_reduce %eq3A_346 {dim = 0 : i64, kind = #tpu.reduction_kind<sum>} : vector<16xi1> -> vector<16xi32>
    %add3A_348 = arith.addi %add3A_345, %all_reduce_population_count3A_347 : vector<16xi32>
    %eq3A_349 = arith.cmpi eq, %add3A_23, %add3A_340 : vector<16xi32>
    %all_reduce_population_count3A_350 = tpu.all_reduce %eq3A_349 {dim = 0 : i64, kind = #tpu.reduction_kind<sum>} : vector<16xi1> -> vector<16xi32>
    %add3A_351 = arith.addi %add3A_348, %all_reduce_population_count3A_350 : vector<16xi32>
    %eq3A_352 = arith.cmpi eq, %add3A_31, %add3A_340 : vector<16xi32>
    %all_reduce_population_count3A_353 = tpu.all_reduce %eq3A_352 {dim = 0 : i64, kind = #tpu.reduction_kind<sum>} : vector<16xi1> -> vector<16xi32>
    %add3A_354 = arith.addi %add3A_351, %all_reduce_population_count3A_353 : vector<16xi32>
    %eq3A_355 = arith.cmpi eq, %add3A_39, %add3A_340 : vector<16xi32>
    %all_reduce_population_count3A_356 = tpu.all_reduce %eq3A_355 {dim = 0 : i64, kind = #tpu.reduction_kind<sum>} : vector<16xi1> -> vector<16xi32>
    %add3A_357 = arith.addi %add3A_354, %all_reduce_population_count3A_356 : vector<16xi32>
    %eq3A_358 = arith.cmpi eq, %add3A_47, %add3A_340 : vector<16xi32>
    %all_reduce_population_count3A_359 = tpu.all_reduce %eq3A_358 {dim = 0 : i64, kind = #tpu.reduction_kind<sum>} : vector<16xi1> -> vector<16xi32>
    %add3A_360 = arith.addi %add3A_357, %all_reduce_population_count3A_359 : vector<16xi32>
    %eq3A_361 = arith.cmpi eq, %add3A_55, %add3A_340 : vector<16xi32>
    %all_reduce_population_count3A_362 = tpu.all_reduce %eq3A_361 {dim = 0 : i64, kind = #tpu.reduction_kind<sum>} : vector<16xi1> -> vector<16xi32>
    %add3A_363 = arith.addi %add3A_360, %all_reduce_population_count3A_362 : vector<16xi32>
    %eq3A_364 = arith.cmpi eq, %add3A_63, %add3A_340 : vector<16xi32>
    %all_reduce_population_count3A_365 = tpu.all_reduce %eq3A_364 {dim = 0 : i64, kind = #tpu.reduction_kind<sum>} : vector<16xi1> -> vector<16xi32>
    %add3A_366 = arith.addi %add3A_363, %all_reduce_population_count3A_365 : vector<16xi32>
    %eq3A_367 = arith.constant 6 : i32
    %eq3A_368 = vector.broadcast %eq3A_367 : i32 to vector<16xi32>
    %eq3A_369 = arith.cmpi eq, %iota3A, %eq3A_368 : vector<16xi32>
    %select_n3A_370 = arith.select %eq3A_369, %add3A_366, %select_n3A_331 : vector<16xi1>, vector<16xi32>
    %broadcast_in_dim3A_371 = arith.constant 0 : i32
    %broadcast_in_dim3A_372 = vector.broadcast %broadcast_in_dim3A_371 : i32 to vector<16xi32>
    %mul3A_373 = arith.constant 18 : i32
    %mul3A_374 = arith.muli %select_n3A, %mul3A_373 : i32
    %add3A_375 = arith.addi %mul3A_374, %mul3A_97 : i32
    %add3A_376 = arith.constant 7 : i32
    %add3A_377 = arith.addi %add3A_375, %add3A_376 : i32
    %add3A_378 = vector.broadcast %add3A_377 : i32 to vector<16xi32>
    %add3A_379 = arith.addi %broadcast_in_dim3A_372, %add3A_378 : vector<16xi32>
    %broadcast_in_dim3A_380 = arith.constant 0 : i32
    %broadcast_in_dim3A_381 = vector.broadcast %broadcast_in_dim3A_380 : i32 to vector<16xi32>
    %eq3A_382 = arith.cmpi eq, %add3A_7, %add3A_379 : vector<16xi32>
    %all_reduce_population_count3A_383 = tpu.all_reduce %eq3A_382 {dim = 0 : i64, kind = #tpu.reduction_kind<sum>} : vector<16xi1> -> vector<16xi32>
    %add3A_384 = arith.addi %broadcast_in_dim3A_381, %all_reduce_population_count3A_383 : vector<16xi32>
    %eq3A_385 = arith.cmpi eq, %add3A_15, %add3A_379 : vector<16xi32>
    %all_reduce_population_count3A_386 = tpu.all_reduce %eq3A_385 {dim = 0 : i64, kind = #tpu.reduction_kind<sum>} : vector<16xi1> -> vector<16xi32>
    %add3A_387 = arith.addi %add3A_384, %all_reduce_population_count3A_386 : vector<16xi32>
    %eq3A_388 = arith.cmpi eq, %add3A_23, %add3A_379 : vector<16xi32>
    %all_reduce_population_count3A_389 = tpu.all_reduce %eq3A_388 {dim = 0 : i64, kind = #tpu.reduction_kind<sum>} : vector<16xi1> -> vector<16xi32>
    %add3A_390 = arith.addi %add3A_387, %all_reduce_population_count3A_389 : vector<16xi32>
    %eq3A_391 = arith.cmpi eq, %add3A_31, %add3A_379 : vector<16xi32>
    %all_reduce_population_count3A_392 = tpu.all_reduce %eq3A_391 {dim = 0 : i64, kind = #tpu.reduction_kind<sum>} : vector<16xi1> -> vector<16xi32>
    %add3A_393 = arith.addi %add3A_390, %all_reduce_population_count3A_392 : vector<16xi32>
    %eq3A_394 = arith.cmpi eq, %add3A_39, %add3A_379 : vector<16xi32>
    %all_reduce_population_count3A_395 = tpu.all_reduce %eq3A_394 {dim = 0 : i64, kind = #tpu.reduction_kind<sum>} : vector<16xi1> -> vector<16xi32>
    %add3A_396 = arith.addi %add3A_393, %all_reduce_population_count3A_395 : vector<16xi32>
    %eq3A_397 = arith.cmpi eq, %add3A_47, %add3A_379 : vector<16xi32>
    %all_reduce_population_count3A_398 = tpu.all_reduce %eq3A_397 {dim = 0 : i64, kind = #tpu.reduction_kind<sum>} : vector<16xi1> -> vector<16xi32>
    %add3A_399 = arith.addi %add3A_396, %all_reduce_population_count3A_398 : vector<16xi32>
    %eq3A_400 = arith.cmpi eq, %add3A_55, %add3A_379 : vector<16xi32>
    %all_reduce_population_count3A_401 = tpu.all_reduce %eq3A_400 {dim = 0 : i64, kind = #tpu.reduction_kind<sum>} : vector<16xi1> -> vector<16xi32>
    %add3A_402 = arith.addi %add3A_399, %all_reduce_population_count3A_401 : vector<16xi32>
    %eq3A_403 = arith.cmpi eq, %add3A_63, %add3A_379 : vector<16xi32>
    %all_reduce_population_count3A_404 = tpu.all_reduce %eq3A_403 {dim = 0 : i64, kind = #tpu.reduction_kind<sum>} : vector<16xi1> -> vector<16xi32>
    %add3A_405 = arith.addi %add3A_402, %all_reduce_population_count3A_404 : vector<16xi32>
    %eq3A_406 = arith.constant 7 : i32
    %eq3A_407 = vector.broadcast %eq3A_406 : i32 to vector<16xi32>
    %eq3A_408 = arith.cmpi eq, %iota3A, %eq3A_407 : vector<16xi32>
    %select_n3A_409 = arith.select %eq3A_408, %add3A_405, %select_n3A_370 : vector<16xi1>, vector<16xi32>
    %broadcast_in_dim3A_410 = arith.constant 0 : i32
    %broadcast_in_dim3A_411 = vector.broadcast %broadcast_in_dim3A_410 : i32 to vector<16xi32>
    %mul3A_412 = arith.constant 18 : i32
    %mul3A_413 = arith.muli %select_n3A, %mul3A_412 : i32
    %add3A_414 = arith.addi %mul3A_413, %mul3A_97 : i32
    %add3A_415 = arith.constant 8 : i32
    %add3A_416 = arith.addi %add3A_414, %add3A_415 : i32
    %add3A_417 = vector.broadcast %add3A_416 : i32 to vector<16xi32>
    %add3A_418 = arith.addi %broadcast_in_dim3A_411, %add3A_417 : vector<16xi32>
    %broadcast_in_dim3A_419 = arith.constant 0 : i32
    %broadcast_in_dim3A_420 = vector.broadcast %broadcast_in_dim3A_419 : i32 to vector<16xi32>
    %eq3A_421 = arith.cmpi eq, %add3A_7, %add3A_418 : vector<16xi32>
    %all_reduce_population_count3A_422 = tpu.all_reduce %eq3A_421 {dim = 0 : i64, kind = #tpu.reduction_kind<sum>} : vector<16xi1> -> vector<16xi32>
    %add3A_423 = arith.addi %broadcast_in_dim3A_420, %all_reduce_population_count3A_422 : vector<16xi32>
    %eq3A_424 = arith.cmpi eq, %add3A_15, %add3A_418 : vector<16xi32>
    %all_reduce_population_count3A_425 = tpu.all_reduce %eq3A_424 {dim = 0 : i64, kind = #tpu.reduction_kind<sum>} : vector<16xi1> -> vector<16xi32>
    %add3A_426 = arith.addi %add3A_423, %all_reduce_population_count3A_425 : vector<16xi32>
    %eq3A_427 = arith.cmpi eq, %add3A_23, %add3A_418 : vector<16xi32>
    %all_reduce_population_count3A_428 = tpu.all_reduce %eq3A_427 {dim = 0 : i64, kind = #tpu.reduction_kind<sum>} : vector<16xi1> -> vector<16xi32>
    %add3A_429 = arith.addi %add3A_426, %all_reduce_population_count3A_428 : vector<16xi32>
    %eq3A_430 = arith.cmpi eq, %add3A_31, %add3A_418 : vector<16xi32>
    %all_reduce_population_count3A_431 = tpu.all_reduce %eq3A_430 {dim = 0 : i64, kind = #tpu.reduction_kind<sum>} : vector<16xi1> -> vector<16xi32>
    %add3A_432 = arith.addi %add3A_429, %all_reduce_population_count3A_431 : vector<16xi32>
    %eq3A_433 = arith.cmpi eq, %add3A_39, %add3A_418 : vector<16xi32>
    %all_reduce_population_count3A_434 = tpu.all_reduce %eq3A_433 {dim = 0 : i64, kind = #tpu.reduction_kind<sum>} : vector<16xi1> -> vector<16xi32>
    %add3A_435 = arith.addi %add3A_432, %all_reduce_population_count3A_434 : vector<16xi32>
    %eq3A_436 = arith.cmpi eq, %add3A_47, %add3A_418 : vector<16xi32>
    %all_reduce_population_count3A_437 = tpu.all_reduce %eq3A_436 {dim = 0 : i64, kind = #tpu.reduction_kind<sum>} : vector<16xi1> -> vector<16xi32>
    %add3A_438 = arith.addi %add3A_435, %all_reduce_population_count3A_437 : vector<16xi32>
    %eq3A_439 = arith.cmpi eq, %add3A_55, %add3A_418 : vector<16xi32>
    %all_reduce_population_count3A_440 = tpu.all_reduce %eq3A_439 {dim = 0 : i64, kind = #tpu.reduction_kind<sum>} : vector<16xi1> -> vector<16xi32>
    %add3A_441 = arith.addi %add3A_438, %all_reduce_population_count3A_440 : vector<16xi32>
    %eq3A_442 = arith.cmpi eq, %add3A_63, %add3A_418 : vector<16xi32>
    %all_reduce_population_count3A_443 = tpu.all_reduce %eq3A_442 {dim = 0 : i64, kind = #tpu.reduction_kind<sum>} : vector<16xi1> -> vector<16xi32>
    %add3A_444 = arith.addi %add3A_441, %all_reduce_population_count3A_443 : vector<16xi32>
    %eq3A_445 = arith.constant 8 : i32
    %eq3A_446 = vector.broadcast %eq3A_445 : i32 to vector<16xi32>
    %eq3A_447 = arith.cmpi eq, %iota3A, %eq3A_446 : vector<16xi32>
    %select_n3A_448 = arith.select %eq3A_447, %add3A_444, %select_n3A_409 : vector<16xi1>, vector<16xi32>
    %broadcast_in_dim3A_449 = arith.constant 0 : i32
    %broadcast_in_dim3A_450 = vector.broadcast %broadcast_in_dim3A_449 : i32 to vector<16xi32>
    %mul3A_451 = arith.constant 18 : i32
    %mul3A_452 = arith.muli %select_n3A, %mul3A_451 : i32
    %add3A_453 = arith.addi %mul3A_452, %mul3A_97 : i32
    %add3A_454 = arith.constant 9 : i32
    %add3A_455 = arith.addi %add3A_453, %add3A_454 : i32
    %add3A_456 = vector.broadcast %add3A_455 : i32 to vector<16xi32>
    %add3A_457 = arith.addi %broadcast_in_dim3A_450, %add3A_456 : vector<16xi32>
    %broadcast_in_dim3A_458 = arith.constant 0 : i32
    %broadcast_in_dim3A_459 = vector.broadcast %broadcast_in_dim3A_458 : i32 to vector<16xi32>
    %eq3A_460 = arith.cmpi eq, %add3A_7, %add3A_457 : vector<16xi32>
    %all_reduce_population_count3A_461 = tpu.all_reduce %eq3A_460 {dim = 0 : i64, kind = #tpu.reduction_kind<sum>} : vector<16xi1> -> vector<16xi32>
    %add3A_462 = arith.addi %broadcast_in_dim3A_459, %all_reduce_population_count3A_461 : vector<16xi32>
    %eq3A_463 = arith.cmpi eq, %add3A_15, %add3A_457 : vector<16xi32>
    %all_reduce_population_count3A_464 = tpu.all_reduce %eq3A_463 {dim = 0 : i64, kind = #tpu.reduction_kind<sum>} : vector<16xi1> -> vector<16xi32>
    %add3A_465 = arith.addi %add3A_462, %all_reduce_population_count3A_464 : vector<16xi32>
    %eq3A_466 = arith.cmpi eq, %add3A_23, %add3A_457 : vector<16xi32>
    %all_reduce_population_count3A_467 = tpu.all_reduce %eq3A_466 {dim = 0 : i64, kind = #tpu.reduction_kind<sum>} : vector<16xi1> -> vector<16xi32>
    %add3A_468 = arith.addi %add3A_465, %all_reduce_population_count3A_467 : vector<16xi32>
    %eq3A_469 = arith.cmpi eq, %add3A_31, %add3A_457 : vector<16xi32>
    %all_reduce_population_count3A_470 = tpu.all_reduce %eq3A_469 {dim = 0 : i64, kind = #tpu.reduction_kind<sum>} : vector<16xi1> -> vector<16xi32>
    %add3A_471 = arith.addi %add3A_468, %all_reduce_population_count3A_470 : vector<16xi32>
    %eq3A_472 = arith.cmpi eq, %add3A_39, %add3A_457 : vector<16xi32>
    %all_reduce_population_count3A_473 = tpu.all_reduce %eq3A_472 {dim = 0 : i64, kind = #tpu.reduction_kind<sum>} : vector<16xi1> -> vector<16xi32>
    %add3A_474 = arith.addi %add3A_471, %all_reduce_population_count3A_473 : vector<16xi32>
    %eq3A_475 = arith.cmpi eq, %add3A_47, %add3A_457 : vector<16xi32>
    %all_reduce_population_count3A_476 = tpu.all_reduce %eq3A_475 {dim = 0 : i64, kind = #tpu.reduction_kind<sum>} : vector<16xi1> -> vector<16xi32>
    %add3A_477 = arith.addi %add3A_474, %all_reduce_population_count3A_476 : vector<16xi32>
    %eq3A_478 = arith.cmpi eq, %add3A_55, %add3A_457 : vector<16xi32>
    %all_reduce_population_count3A_479 = tpu.all_reduce %eq3A_478 {dim = 0 : i64, kind = #tpu.reduction_kind<sum>} : vector<16xi1> -> vector<16xi32>
    %add3A_480 = arith.addi %add3A_477, %all_reduce_population_count3A_479 : vector<16xi32>
    %eq3A_481 = arith.cmpi eq, %add3A_63, %add3A_457 : vector<16xi32>
    %all_reduce_population_count3A_482 = tpu.all_reduce %eq3A_481 {dim = 0 : i64, kind = #tpu.reduction_kind<sum>} : vector<16xi1> -> vector<16xi32>
    %add3A_483 = arith.addi %add3A_480, %all_reduce_population_count3A_482 : vector<16xi32>
    %eq3A_484 = arith.constant 9 : i32
    %eq3A_485 = vector.broadcast %eq3A_484 : i32 to vector<16xi32>
    %eq3A_486 = arith.cmpi eq, %iota3A, %eq3A_485 : vector<16xi32>
    %select_n3A_487 = arith.select %eq3A_486, %add3A_483, %select_n3A_448 : vector<16xi1>, vector<16xi32>
    %broadcast_in_dim3A_488 = arith.constant 0 : i32
    %broadcast_in_dim3A_489 = vector.broadcast %broadcast_in_dim3A_488 : i32 to vector<16xi32>
    %mul3A_490 = arith.constant 18 : i32
    %mul3A_491 = arith.muli %select_n3A, %mul3A_490 : i32
    %add3A_492 = arith.addi %mul3A_491, %mul3A_97 : i32
    %add3A_493 = arith.constant 10 : i32
    %add3A_494 = arith.addi %add3A_492, %add3A_493 : i32
    %add3A_495 = vector.broadcast %add3A_494 : i32 to vector<16xi32>
    %add3A_496 = arith.addi %broadcast_in_dim3A_489, %add3A_495 : vector<16xi32>
    %broadcast_in_dim3A_497 = arith.constant 0 : i32
    %broadcast_in_dim3A_498 = vector.broadcast %broadcast_in_dim3A_497 : i32 to vector<16xi32>
    %eq3A_499 = arith.cmpi eq, %add3A_7, %add3A_496 : vector<16xi32>
    %all_reduce_population_count3A_500 = tpu.all_reduce %eq3A_499 {dim = 0 : i64, kind = #tpu.reduction_kind<sum>} : vector<16xi1> -> vector<16xi32>
    %add3A_501 = arith.addi %broadcast_in_dim3A_498, %all_reduce_population_count3A_500 : vector<16xi32>
    %eq3A_502 = arith.cmpi eq, %add3A_15, %add3A_496 : vector<16xi32>
    %all_reduce_population_count3A_503 = tpu.all_reduce %eq3A_502 {dim = 0 : i64, kind = #tpu.reduction_kind<sum>} : vector<16xi1> -> vector<16xi32>
    %add3A_504 = arith.addi %add3A_501, %all_reduce_population_count3A_503 : vector<16xi32>
    %eq3A_505 = arith.cmpi eq, %add3A_23, %add3A_496 : vector<16xi32>
    %all_reduce_population_count3A_506 = tpu.all_reduce %eq3A_505 {dim = 0 : i64, kind = #tpu.reduction_kind<sum>} : vector<16xi1> -> vector<16xi32>
    %add3A_507 = arith.addi %add3A_504, %all_reduce_population_count3A_506 : vector<16xi32>
    %eq3A_508 = arith.cmpi eq, %add3A_31, %add3A_496 : vector<16xi32>
    %all_reduce_population_count3A_509 = tpu.all_reduce %eq3A_508 {dim = 0 : i64, kind = #tpu.reduction_kind<sum>} : vector<16xi1> -> vector<16xi32>
    %add3A_510 = arith.addi %add3A_507, %all_reduce_population_count3A_509 : vector<16xi32>
    %eq3A_511 = arith.cmpi eq, %add3A_39, %add3A_496 : vector<16xi32>
    %all_reduce_population_count3A_512 = tpu.all_reduce %eq3A_511 {dim = 0 : i64, kind = #tpu.reduction_kind<sum>} : vector<16xi1> -> vector<16xi32>
    %add3A_513 = arith.addi %add3A_510, %all_reduce_population_count3A_512 : vector<16xi32>
    %eq3A_514 = arith.cmpi eq, %add3A_47, %add3A_496 : vector<16xi32>
    %all_reduce_population_count3A_515 = tpu.all_reduce %eq3A_514 {dim = 0 : i64, kind = #tpu.reduction_kind<sum>} : vector<16xi1> -> vector<16xi32>
    %add3A_516 = arith.addi %add3A_513, %all_reduce_population_count3A_515 : vector<16xi32>
    %eq3A_517 = arith.cmpi eq, %add3A_55, %add3A_496 : vector<16xi32>
    %all_reduce_population_count3A_518 = tpu.all_reduce %eq3A_517 {dim = 0 : i64, kind = #tpu.reduction_kind<sum>} : vector<16xi1> -> vector<16xi32>
    %add3A_519 = arith.addi %add3A_516, %all_reduce_population_count3A_518 : vector<16xi32>
    %eq3A_520 = arith.cmpi eq, %add3A_63, %add3A_496 : vector<16xi32>
    %all_reduce_population_count3A_521 = tpu.all_reduce %eq3A_520 {dim = 0 : i64, kind = #tpu.reduction_kind<sum>} : vector<16xi1> -> vector<16xi32>
    %add3A_522 = arith.addi %add3A_519, %all_reduce_population_count3A_521 : vector<16xi32>
    %eq3A_523 = arith.constant 10 : i32
    %eq3A_524 = vector.broadcast %eq3A_523 : i32 to vector<16xi32>
    %eq3A_525 = arith.cmpi eq, %iota3A, %eq3A_524 : vector<16xi32>
    %select_n3A_526 = arith.select %eq3A_525, %add3A_522, %select_n3A_487 : vector<16xi1>, vector<16xi32>
    %broadcast_in_dim3A_527 = arith.constant 0 : i32
    %broadcast_in_dim3A_528 = vector.broadcast %broadcast_in_dim3A_527 : i32 to vector<16xi32>
    %mul3A_529 = arith.constant 18 : i32
    %mul3A_530 = arith.muli %select_n3A, %mul3A_529 : i32
    %add3A_531 = arith.addi %mul3A_530, %mul3A_97 : i32
    %add3A_532 = arith.constant 11 : i32
    %add3A_533 = arith.addi %add3A_531, %add3A_532 : i32
    %add3A_534 = vector.broadcast %add3A_533 : i32 to vector<16xi32>
    %add3A_535 = arith.addi %broadcast_in_dim3A_528, %add3A_534 : vector<16xi32>
    %broadcast_in_dim3A_536 = arith.constant 0 : i32
    %broadcast_in_dim3A_537 = vector.broadcast %broadcast_in_dim3A_536 : i32 to vector<16xi32>
    %eq3A_538 = arith.cmpi eq, %add3A_7, %add3A_535 : vector<16xi32>
    %all_reduce_population_count3A_539 = tpu.all_reduce %eq3A_538 {dim = 0 : i64, kind = #tpu.reduction_kind<sum>} : vector<16xi1> -> vector<16xi32>
    %add3A_540 = arith.addi %broadcast_in_dim3A_537, %all_reduce_population_count3A_539 : vector<16xi32>
    %eq3A_541 = arith.cmpi eq, %add3A_15, %add3A_535 : vector<16xi32>
    %all_reduce_population_count3A_542 = tpu.all_reduce %eq3A_541 {dim = 0 : i64, kind = #tpu.reduction_kind<sum>} : vector<16xi1> -> vector<16xi32>
    %add3A_543 = arith.addi %add3A_540, %all_reduce_population_count3A_542 : vector<16xi32>
    %eq3A_544 = arith.cmpi eq, %add3A_23, %add3A_535 : vector<16xi32>
    %all_reduce_population_count3A_545 = tpu.all_reduce %eq3A_544 {dim = 0 : i64, kind = #tpu.reduction_kind<sum>} : vector<16xi1> -> vector<16xi32>
    %add3A_546 = arith.addi %add3A_543, %all_reduce_population_count3A_545 : vector<16xi32>
    %eq3A_547 = arith.cmpi eq, %add3A_31, %add3A_535 : vector<16xi32>
    %all_reduce_population_count3A_548 = tpu.all_reduce %eq3A_547 {dim = 0 : i64, kind = #tpu.reduction_kind<sum>} : vector<16xi1> -> vector<16xi32>
    %add3A_549 = arith.addi %add3A_546, %all_reduce_population_count3A_548 : vector<16xi32>
    %eq3A_550 = arith.cmpi eq, %add3A_39, %add3A_535 : vector<16xi32>
    %all_reduce_population_count3A_551 = tpu.all_reduce %eq3A_550 {dim = 0 : i64, kind = #tpu.reduction_kind<sum>} : vector<16xi1> -> vector<16xi32>
    %add3A_552 = arith.addi %add3A_549, %all_reduce_population_count3A_551 : vector<16xi32>
    %eq3A_553 = arith.cmpi eq, %add3A_47, %add3A_535 : vector<16xi32>
    %all_reduce_population_count3A_554 = tpu.all_reduce %eq3A_553 {dim = 0 : i64, kind = #tpu.reduction_kind<sum>} : vector<16xi1> -> vector<16xi32>
    %add3A_555 = arith.addi %add3A_552, %all_reduce_population_count3A_554 : vector<16xi32>
    %eq3A_556 = arith.cmpi eq, %add3A_55, %add3A_535 : vector<16xi32>
    %all_reduce_population_count3A_557 = tpu.all_reduce %eq3A_556 {dim = 0 : i64, kind = #tpu.reduction_kind<sum>} : vector<16xi1> -> vector<16xi32>
    %add3A_558 = arith.addi %add3A_555, %all_reduce_population_count3A_557 : vector<16xi32>
    %eq3A_559 = arith.cmpi eq, %add3A_63, %add3A_535 : vector<16xi32>
    %all_reduce_population_count3A_560 = tpu.all_reduce %eq3A_559 {dim = 0 : i64, kind = #tpu.reduction_kind<sum>} : vector<16xi1> -> vector<16xi32>
    %add3A_561 = arith.addi %add3A_558, %all_reduce_population_count3A_560 : vector<16xi32>
    %eq3A_562 = arith.constant 11 : i32
    %eq3A_563 = vector.broadcast %eq3A_562 : i32 to vector<16xi32>
    %eq3A_564 = arith.cmpi eq, %iota3A, %eq3A_563 : vector<16xi32>
    %select_n3A_565 = arith.select %eq3A_564, %add3A_561, %select_n3A_526 : vector<16xi1>, vector<16xi32>
    %broadcast_in_dim3A_566 = arith.constant 0 : i32
    %broadcast_in_dim3A_567 = vector.broadcast %broadcast_in_dim3A_566 : i32 to vector<16xi32>
    %mul3A_568 = arith.constant 18 : i32
    %mul3A_569 = arith.muli %select_n3A, %mul3A_568 : i32
    %add3A_570 = arith.addi %mul3A_569, %mul3A_97 : i32
    %add3A_571 = arith.constant 12 : i32
    %add3A_572 = arith.addi %add3A_570, %add3A_571 : i32
    %add3A_573 = vector.broadcast %add3A_572 : i32 to vector<16xi32>
    %add3A_574 = arith.addi %broadcast_in_dim3A_567, %add3A_573 : vector<16xi32>
    %broadcast_in_dim3A_575 = arith.constant 0 : i32
    %broadcast_in_dim3A_576 = vector.broadcast %broadcast_in_dim3A_575 : i32 to vector<16xi32>
    %eq3A_577 = arith.cmpi eq, %add3A_7, %add3A_574 : vector<16xi32>
    %all_reduce_population_count3A_578 = tpu.all_reduce %eq3A_577 {dim = 0 : i64, kind = #tpu.reduction_kind<sum>} : vector<16xi1> -> vector<16xi32>
    %add3A_579 = arith.addi %broadcast_in_dim3A_576, %all_reduce_population_count3A_578 : vector<16xi32>
    %eq3A_580 = arith.cmpi eq, %add3A_15, %add3A_574 : vector<16xi32>
    %all_reduce_population_count3A_581 = tpu.all_reduce %eq3A_580 {dim = 0 : i64, kind = #tpu.reduction_kind<sum>} : vector<16xi1> -> vector<16xi32>
    %add3A_582 = arith.addi %add3A_579, %all_reduce_population_count3A_581 : vector<16xi32>
    %eq3A_583 = arith.cmpi eq, %add3A_23, %add3A_574 : vector<16xi32>
    %all_reduce_population_count3A_584 = tpu.all_reduce %eq3A_583 {dim = 0 : i64, kind = #tpu.reduction_kind<sum>} : vector<16xi1> -> vector<16xi32>
    %add3A_585 = arith.addi %add3A_582, %all_reduce_population_count3A_584 : vector<16xi32>
    %eq3A_586 = arith.cmpi eq, %add3A_31, %add3A_574 : vector<16xi32>
    %all_reduce_population_count3A_587 = tpu.all_reduce %eq3A_586 {dim = 0 : i64, kind = #tpu.reduction_kind<sum>} : vector<16xi1> -> vector<16xi32>
    %add3A_588 = arith.addi %add3A_585, %all_reduce_population_count3A_587 : vector<16xi32>
    %eq3A_589 = arith.cmpi eq, %add3A_39, %add3A_574 : vector<16xi32>
    %all_reduce_population_count3A_590 = tpu.all_reduce %eq3A_589 {dim = 0 : i64, kind = #tpu.reduction_kind<sum>} : vector<16xi1> -> vector<16xi32>
    %add3A_591 = arith.addi %add3A_588, %all_reduce_population_count3A_590 : vector<16xi32>
    %eq3A_592 = arith.cmpi eq, %add3A_47, %add3A_574 : vector<16xi32>
    %all_reduce_population_count3A_593 = tpu.all_reduce %eq3A_592 {dim = 0 : i64, kind = #tpu.reduction_kind<sum>} : vector<16xi1> -> vector<16xi32>
    %add3A_594 = arith.addi %add3A_591, %all_reduce_population_count3A_593 : vector<16xi32>
    %eq3A_595 = arith.cmpi eq, %add3A_55, %add3A_574 : vector<16xi32>
    %all_reduce_population_count3A_596 = tpu.all_reduce %eq3A_595 {dim = 0 : i64, kind = #tpu.reduction_kind<sum>} : vector<16xi1> -> vector<16xi32>
    %add3A_597 = arith.addi %add3A_594, %all_reduce_population_count3A_596 : vector<16xi32>
    %eq3A_598 = arith.cmpi eq, %add3A_63, %add3A_574 : vector<16xi32>
    %all_reduce_population_count3A_599 = tpu.all_reduce %eq3A_598 {dim = 0 : i64, kind = #tpu.reduction_kind<sum>} : vector<16xi1> -> vector<16xi32>
    %add3A_600 = arith.addi %add3A_597, %all_reduce_population_count3A_599 : vector<16xi32>
    %eq3A_601 = arith.constant 12 : i32
    %eq3A_602 = vector.broadcast %eq3A_601 : i32 to vector<16xi32>
    %eq3A_603 = arith.cmpi eq, %iota3A, %eq3A_602 : vector<16xi32>
    %select_n3A_604 = arith.select %eq3A_603, %add3A_600, %select_n3A_565 : vector<16xi1>, vector<16xi32>
    %broadcast_in_dim3A_605 = arith.constant 0 : i32
    %broadcast_in_dim3A_606 = vector.broadcast %broadcast_in_dim3A_605 : i32 to vector<16xi32>
    %mul3A_607 = arith.constant 18 : i32
    %mul3A_608 = arith.muli %select_n3A, %mul3A_607 : i32
    %add3A_609 = arith.addi %mul3A_608, %mul3A_97 : i32
    %add3A_610 = arith.constant 13 : i32
    %add3A_611 = arith.addi %add3A_609, %add3A_610 : i32
    %add3A_612 = vector.broadcast %add3A_611 : i32 to vector<16xi32>
    %add3A_613 = arith.addi %broadcast_in_dim3A_606, %add3A_612 : vector<16xi32>
    %broadcast_in_dim3A_614 = arith.constant 0 : i32
    %broadcast_in_dim3A_615 = vector.broadcast %broadcast_in_dim3A_614 : i32 to vector<16xi32>
    %eq3A_616 = arith.cmpi eq, %add3A_7, %add3A_613 : vector<16xi32>
    %all_reduce_population_count3A_617 = tpu.all_reduce %eq3A_616 {dim = 0 : i64, kind = #tpu.reduction_kind<sum>} : vector<16xi1> -> vector<16xi32>
    %add3A_618 = arith.addi %broadcast_in_dim3A_615, %all_reduce_population_count3A_617 : vector<16xi32>
    %eq3A_619 = arith.cmpi eq, %add3A_15, %add3A_613 : vector<16xi32>
    %all_reduce_population_count3A_620 = tpu.all_reduce %eq3A_619 {dim = 0 : i64, kind = #tpu.reduction_kind<sum>} : vector<16xi1> -> vector<16xi32>
    %add3A_621 = arith.addi %add3A_618, %all_reduce_population_count3A_620 : vector<16xi32>
    %eq3A_622 = arith.cmpi eq, %add3A_23, %add3A_613 : vector<16xi32>
    %all_reduce_population_count3A_623 = tpu.all_reduce %eq3A_622 {dim = 0 : i64, kind = #tpu.reduction_kind<sum>} : vector<16xi1> -> vector<16xi32>
    %add3A_624 = arith.addi %add3A_621, %all_reduce_population_count3A_623 : vector<16xi32>
    %eq3A_625 = arith.cmpi eq, %add3A_31, %add3A_613 : vector<16xi32>
    %all_reduce_population_count3A_626 = tpu.all_reduce %eq3A_625 {dim = 0 : i64, kind = #tpu.reduction_kind<sum>} : vector<16xi1> -> vector<16xi32>
    %add3A_627 = arith.addi %add3A_624, %all_reduce_population_count3A_626 : vector<16xi32>
    %eq3A_628 = arith.cmpi eq, %add3A_39, %add3A_613 : vector<16xi32>
    %all_reduce_population_count3A_629 = tpu.all_reduce %eq3A_628 {dim = 0 : i64, kind = #tpu.reduction_kind<sum>} : vector<16xi1> -> vector<16xi32>
    %add3A_630 = arith.addi %add3A_627, %all_reduce_population_count3A_629 : vector<16xi32>
    %eq3A_631 = arith.cmpi eq, %add3A_47, %add3A_613 : vector<16xi32>
    %all_reduce_population_count3A_632 = tpu.all_reduce %eq3A_631 {dim = 0 : i64, kind = #tpu.reduction_kind<sum>} : vector<16xi1> -> vector<16xi32>
    %add3A_633 = arith.addi %add3A_630, %all_reduce_population_count3A_632 : vector<16xi32>
    %eq3A_634 = arith.cmpi eq, %add3A_55, %add3A_613 : vector<16xi32>
    %all_reduce_population_count3A_635 = tpu.all_reduce %eq3A_634 {dim = 0 : i64, kind = #tpu.reduction_kind<sum>} : vector<16xi1> -> vector<16xi32>
    %add3A_636 = arith.addi %add3A_633, %all_reduce_population_count3A_635 : vector<16xi32>
    %eq3A_637 = arith.cmpi eq, %add3A_63, %add3A_613 : vector<16xi32>
    %all_reduce_population_count3A_638 = tpu.all_reduce %eq3A_637 {dim = 0 : i64, kind = #tpu.reduction_kind<sum>} : vector<16xi1> -> vector<16xi32>
    %add3A_639 = arith.addi %add3A_636, %all_reduce_population_count3A_638 : vector<16xi32>
    %eq3A_640 = arith.constant 13 : i32
    %eq3A_641 = vector.broadcast %eq3A_640 : i32 to vector<16xi32>
    %eq3A_642 = arith.cmpi eq, %iota3A, %eq3A_641 : vector<16xi32>
    %select_n3A_643 = arith.select %eq3A_642, %add3A_639, %select_n3A_604 : vector<16xi1>, vector<16xi32>
    %broadcast_in_dim3A_644 = arith.constant 0 : i32
    %broadcast_in_dim3A_645 = vector.broadcast %broadcast_in_dim3A_644 : i32 to vector<16xi32>
    %mul3A_646 = arith.constant 18 : i32
    %mul3A_647 = arith.muli %select_n3A, %mul3A_646 : i32
    %add3A_648 = arith.addi %mul3A_647, %mul3A_97 : i32
    %add3A_649 = arith.constant 14 : i32
    %add3A_650 = arith.addi %add3A_648, %add3A_649 : i32
    %add3A_651 = vector.broadcast %add3A_650 : i32 to vector<16xi32>
    %add3A_652 = arith.addi %broadcast_in_dim3A_645, %add3A_651 : vector<16xi32>
    %broadcast_in_dim3A_653 = arith.constant 0 : i32
    %broadcast_in_dim3A_654 = vector.broadcast %broadcast_in_dim3A_653 : i32 to vector<16xi32>
    %eq3A_655 = arith.cmpi eq, %add3A_7, %add3A_652 : vector<16xi32>
    %all_reduce_population_count3A_656 = tpu.all_reduce %eq3A_655 {dim = 0 : i64, kind = #tpu.reduction_kind<sum>} : vector<16xi1> -> vector<16xi32>
    %add3A_657 = arith.addi %broadcast_in_dim3A_654, %all_reduce_population_count3A_656 : vector<16xi32>
    %eq3A_658 = arith.cmpi eq, %add3A_15, %add3A_652 : vector<16xi32>
    %all_reduce_population_count3A_659 = tpu.all_reduce %eq3A_658 {dim = 0 : i64, kind = #tpu.reduction_kind<sum>} : vector<16xi1> -> vector<16xi32>
    %add3A_660 = arith.addi %add3A_657, %all_reduce_population_count3A_659 : vector<16xi32>
    %eq3A_661 = arith.cmpi eq, %add3A_23, %add3A_652 : vector<16xi32>
    %all_reduce_population_count3A_662 = tpu.all_reduce %eq3A_661 {dim = 0 : i64, kind = #tpu.reduction_kind<sum>} : vector<16xi1> -> vector<16xi32>
    %add3A_663 = arith.addi %add3A_660, %all_reduce_population_count3A_662 : vector<16xi32>
    %eq3A_664 = arith.cmpi eq, %add3A_31, %add3A_652 : vector<16xi32>
    %all_reduce_population_count3A_665 = tpu.all_reduce %eq3A_664 {dim = 0 : i64, kind = #tpu.reduction_kind<sum>} : vector<16xi1> -> vector<16xi32>
    %add3A_666 = arith.addi %add3A_663, %all_reduce_population_count3A_665 : vector<16xi32>
    %eq3A_667 = arith.cmpi eq, %add3A_39, %add3A_652 : vector<16xi32>
    %all_reduce_population_count3A_668 = tpu.all_reduce %eq3A_667 {dim = 0 : i64, kind = #tpu.reduction_kind<sum>} : vector<16xi1> -> vector<16xi32>
    %add3A_669 = arith.addi %add3A_666, %all_reduce_population_count3A_668 : vector<16xi32>
    %eq3A_670 = arith.cmpi eq, %add3A_47, %add3A_652 : vector<16xi32>
    %all_reduce_population_count3A_671 = tpu.all_reduce %eq3A_670 {dim = 0 : i64, kind = #tpu.reduction_kind<sum>} : vector<16xi1> -> vector<16xi32>
    %add3A_672 = arith.addi %add3A_669, %all_reduce_population_count3A_671 : vector<16xi32>
    %eq3A_673 = arith.cmpi eq, %add3A_55, %add3A_652 : vector<16xi32>
    %all_reduce_population_count3A_674 = tpu.all_reduce %eq3A_673 {dim = 0 : i64, kind = #tpu.reduction_kind<sum>} : vector<16xi1> -> vector<16xi32>
    %add3A_675 = arith.addi %add3A_672, %all_reduce_population_count3A_674 : vector<16xi32>
    %eq3A_676 = arith.cmpi eq, %add3A_63, %add3A_652 : vector<16xi32>
    %all_reduce_population_count3A_677 = tpu.all_reduce %eq3A_676 {dim = 0 : i64, kind = #tpu.reduction_kind<sum>} : vector<16xi1> -> vector<16xi32>
    %add3A_678 = arith.addi %add3A_675, %all_reduce_population_count3A_677 : vector<16xi32>
    %eq3A_679 = arith.constant 14 : i32
    %eq3A_680 = vector.broadcast %eq3A_679 : i32 to vector<16xi32>
    %eq3A_681 = arith.cmpi eq, %iota3A, %eq3A_680 : vector<16xi32>
    %select_n3A_682 = arith.select %eq3A_681, %add3A_678, %select_n3A_643 : vector<16xi1>, vector<16xi32>
    %broadcast_in_dim3A_683 = arith.constant 0 : i32
    %broadcast_in_dim3A_684 = vector.broadcast %broadcast_in_dim3A_683 : i32 to vector<16xi32>
    %mul3A_685 = arith.constant 18 : i32
    %mul3A_686 = arith.muli %select_n3A, %mul3A_685 : i32
    %add3A_687 = arith.addi %mul3A_686, %mul3A_97 : i32
    %add3A_688 = arith.constant 15 : i32
    %add3A_689 = arith.addi %add3A_687, %add3A_688 : i32
    %add3A_690 = vector.broadcast %add3A_689 : i32 to vector<16xi32>
    %add3A_691 = arith.addi %broadcast_in_dim3A_684, %add3A_690 : vector<16xi32>
    %broadcast_in_dim3A_692 = arith.constant 0 : i32
    %broadcast_in_dim3A_693 = vector.broadcast %broadcast_in_dim3A_692 : i32 to vector<16xi32>
    %eq3A_694 = arith.cmpi eq, %add3A_7, %add3A_691 : vector<16xi32>
    %all_reduce_population_count3A_695 = tpu.all_reduce %eq3A_694 {dim = 0 : i64, kind = #tpu.reduction_kind<sum>} : vector<16xi1> -> vector<16xi32>
    %add3A_696 = arith.addi %broadcast_in_dim3A_693, %all_reduce_population_count3A_695 : vector<16xi32>
    %eq3A_697 = arith.cmpi eq, %add3A_15, %add3A_691 : vector<16xi32>
    %all_reduce_population_count3A_698 = tpu.all_reduce %eq3A_697 {dim = 0 : i64, kind = #tpu.reduction_kind<sum>} : vector<16xi1> -> vector<16xi32>
    %add3A_699 = arith.addi %add3A_696, %all_reduce_population_count3A_698 : vector<16xi32>
    %eq3A_700 = arith.cmpi eq, %add3A_23, %add3A_691 : vector<16xi32>
    %all_reduce_population_count3A_701 = tpu.all_reduce %eq3A_700 {dim = 0 : i64, kind = #tpu.reduction_kind<sum>} : vector<16xi1> -> vector<16xi32>
    %add3A_702 = arith.addi %add3A_699, %all_reduce_population_count3A_701 : vector<16xi32>
    %eq3A_703 = arith.cmpi eq, %add3A_31, %add3A_691 : vector<16xi32>
    %all_reduce_population_count3A_704 = tpu.all_reduce %eq3A_703 {dim = 0 : i64, kind = #tpu.reduction_kind<sum>} : vector<16xi1> -> vector<16xi32>
    %add3A_705 = arith.addi %add3A_702, %all_reduce_population_count3A_704 : vector<16xi32>
    %eq3A_706 = arith.cmpi eq, %add3A_39, %add3A_691 : vector<16xi32>
    %all_reduce_population_count3A_707 = tpu.all_reduce %eq3A_706 {dim = 0 : i64, kind = #tpu.reduction_kind<sum>} : vector<16xi1> -> vector<16xi32>
    %add3A_708 = arith.addi %add3A_705, %all_reduce_population_count3A_707 : vector<16xi32>
    %eq3A_709 = arith.cmpi eq, %add3A_47, %add3A_691 : vector<16xi32>
    %all_reduce_population_count3A_710 = tpu.all_reduce %eq3A_709 {dim = 0 : i64, kind = #tpu.reduction_kind<sum>} : vector<16xi1> -> vector<16xi32>
    %add3A_711 = arith.addi %add3A_708, %all_reduce_population_count3A_710 : vector<16xi32>
    %eq3A_712 = arith.cmpi eq, %add3A_55, %add3A_691 : vector<16xi32>
    %all_reduce_population_count3A_713 = tpu.all_reduce %eq3A_712 {dim = 0 : i64, kind = #tpu.reduction_kind<sum>} : vector<16xi1> -> vector<16xi32>
    %add3A_714 = arith.addi %add3A_711, %all_reduce_population_count3A_713 : vector<16xi32>
    %eq3A_715 = arith.cmpi eq, %add3A_63, %add3A_691 : vector<16xi32>
    %all_reduce_population_count3A_716 = tpu.all_reduce %eq3A_715 {dim = 0 : i64, kind = #tpu.reduction_kind<sum>} : vector<16xi1> -> vector<16xi32>
    %add3A_717 = arith.addi %add3A_714, %all_reduce_population_count3A_716 : vector<16xi32>
    %eq3A_718 = arith.constant 15 : i32
    %eq3A_719 = vector.broadcast %eq3A_718 : i32 to vector<16xi32>
    %eq3A_720 = arith.cmpi eq, %iota3A, %eq3A_719 : vector<16xi32>
    %select_n3A_721 = arith.select %eq3A_720, %add3A_717, %select_n3A_682 : vector<16xi1>, vector<16xi32>
    %convert_element_type3A = arith.sitofp %select_n3A_721 : vector<16xi32> to vector<16xf32>
    %swap3A = arith.constant 0 : index
    %swap3A_722 = tpu.vector_load %arg6[%swap3A] {strides = array<i32>} : memref<16xf32, #tpu.memory_space<vmem>>, vector<16xf32>,
    tpu.vector_store %arg6[%swap3A], %convert_element_type3A {strides = array<i32>} : memref<16xf32, #tpu.memory_space<vmem>>, vector<16xf32>,
    "tpu.region"() ({
      %run_scoped3A = tpu.sem_alloc : memref<!tpu.dma_semaphore, #tpu.memory_space<semaphore_mem>>
      %dma_start3A = tpu.memref_slice %arg3[%select_n3A, %mul3A_97] : memref<32x32xf32, #tpu.memory_space<hbm>> -> memref<1x16xf32, #tpu.memory_space<hbm>>
      %dma_start3A_1394 = tpu.memref_squeeze %dma_start3A : memref<1x16xf32, #tpu.memory_space<hbm>> -> memref<16xf32, #tpu.memory_space<hbm>>
      %dma_start3A_1395 = tpu.memref_slice %arg3[%select_n3A, %mul3A_97] : memref<32x32xf32, #tpu.memory_space<hbm>> -> memref<1x16xf32, #tpu.memory_space<hbm>>
      %dma_start3A_1396 = tpu.memref_squeeze %dma_start3A_1395 : memref<1x16xf32, #tpu.memory_space<hbm>> -> memref<16xf32, #tpu.memory_space<hbm>>
      tpu.enqueue_dma source(%arg6 : memref<16xf32, #tpu.memory_space<vmem>>) target(%dma_start3A_1396 : memref<16xf32, #tpu.memory_space<hbm>>) target_semaphore(%run_scoped3A : memref<!tpu.dma_semaphore, #tpu.memory_space<semaphore_mem>>)
      %dma_wait3A = tpu.memref_slice %arg3[%select_n3A, %mul3A_97] : memref<32x32xf32, #tpu.memory_space<hbm>> -> memref<1x16xf32, #tpu.memory_space<hbm>>
      %dma_wait3A_1397 = tpu.memref_squeeze %dma_wait3A : memref<1x16xf32, #tpu.memory_space<hbm>> -> memref<16xf32, #tpu.memory_space<hbm>>
      %dma_wait3A_1398 = tpu.memref_slice %arg3[%select_n3A, %mul3A_97] : memref<32x32xf32, #tpu.memory_space<hbm>> -> memref<1x16xf32, #tpu.memory_space<hbm>>
      %dma_wait3A_1399 = tpu.memref_squeeze %dma_wait3A_1398 : memref<1x16xf32, #tpu.memory_space<hbm>> -> memref<16xf32, #tpu.memory_space<hbm>>
      tpu.wait_dma2 semaphore(%run_scoped3A : memref<!tpu.dma_semaphore, #tpu.memory_space<semaphore_mem>>) src(%arg6 : memref<16xf32, #tpu.memory_space<vmem>>) dst(%dma_wait3A_1399 : memref<16xf32, #tpu.memory_space<hbm>>)
      tpu.yield
    }) : () -> ()
    %jit3A_723 = arith.constant 2 : i32
    %div3A_724 = arith.divsi %add3A_65, %jit3A_723 : i32
    %sign3A_725 = arith.constant 0 : i32
    %sign3A_726 = arith.cmpi sgt, %add3A_65, %sign3A_725 : i32
    %sign3A_727 = arith.extui %sign3A_726 : i1 to i32
    %sign3A_728 = arith.constant 0 : i32
    %sign3A_729 = arith.cmpi slt, %add3A_65, %sign3A_728 : i32
    %sign3A_730 = arith.extui %sign3A_729 : i1 to i32
    %sign3A_731 = arith.subi %sign3A_727, %sign3A_730 : i32
    %sign3A_732 = arith.constant 0 : i32
    %sign3A_733 = arith.cmpi sgt, %jit3A_723, %sign3A_732 : i32
    %sign3A_734 = arith.extui %sign3A_733 : i1 to i32
    %sign3A_735 = arith.constant 0 : i32
    %sign3A_736 = arith.cmpi slt, %jit3A_723, %sign3A_735 : i32
    %sign3A_737 = arith.extui %sign3A_736 : i1 to i32
    %sign3A_738 = arith.subi %sign3A_734, %sign3A_737 : i32
    %ne3A_739 = arith.cmpi ne, %sign3A_731, %sign3A_738 : i32
    %rem3A_740 = arith.remsi %add3A_65, %jit3A_723 : i32
    %ne3A_741 = arith.constant 0 : i32
    %ne3A_742 = arith.cmpi ne, %rem3A_740, %ne3A_741 : i32
    %and3A_743 = arith.andi %ne3A_739, %ne3A_742 : i1
    %sub3A_744 = arith.constant 1 : i32
    %sub3A_745 = arith.subi %div3A_724, %sub3A_744 : i32
    %select_n3A_746 = arith.select %and3A_743, %sub3A_745, %div3A_724 : i32
    %jit3A_747 = arith.constant 2 : i32
    %eq3A_748 = arith.constant 0 : i32
    %eq3A_749 = arith.cmpi eq, %jit3A_747, %eq3A_748 : i32
    %jit3A_750 = arith.constant 1 : i32
    %select_n3A_751 = arith.select %eq3A_749, %jit3A_750, %jit3A_747 : i32
    %rem3A_752 = arith.remsi %add3A_65, %select_n3A_751 : i32
    %ne3A_753 = arith.constant 0 : i32
    %ne3A_754 = arith.cmpi ne, %rem3A_752, %ne3A_753 : i32
    %lt3A_755 = arith.constant 0 : i32
    %lt3A_756 = arith.cmpi slt, %rem3A_752, %lt3A_755 : i32
    %lt3A_757 = arith.constant 0 : i32
    %lt3A_758 = arith.cmpi slt, %select_n3A_751, %lt3A_757 : i32
    %ne3A_759 = arith.xori %lt3A_756, %lt3A_758 : i1
    %and3A_760 = arith.andi %ne3A_759, %ne3A_754 : i1
    %add3A_761 = arith.addi %rem3A_752, %select_n3A_751 : i32
    %select_n3A_762 = arith.select %and3A_760, %add3A_761, %rem3A_752 : i32
    %mul3A_763 = arith.constant 16 : i32
    %mul3A_764 = arith.muli %mul3A_763, %select_n3A_762 : i32
    %broadcast_in_dim3A_765 = arith.constant 0 : i32
    %broadcast_in_dim3A_766 = vector.broadcast %broadcast_in_dim3A_765 : i32 to vector<16xi32>
    %broadcast_in_dim3A_767 = arith.constant 0 : i32
    %broadcast_in_dim3A_768 = vector.broadcast %broadcast_in_dim3A_767 : i32 to vector<16xi32>
    %mul3A_769 = arith.constant 18 : i32
    %mul3A_770 = arith.muli %select_n3A_746, %mul3A_769 : i32
    %add3A_771 = arith.addi %mul3A_770, %mul3A_764 : i32
    %add3A_772 = arith.constant 0 : i32
    %add3A_773 = arith.addi %add3A_771, %add3A_772 : i32
    %add3A_774 = vector.broadcast %add3A_773 : i32 to vector<16xi32>
    %add3A_775 = arith.addi %broadcast_in_dim3A_768, %add3A_774 : vector<16xi32>
    %broadcast_in_dim3A_776 = arith.constant 0 : i32
    %broadcast_in_dim3A_777 = vector.broadcast %broadcast_in_dim3A_776 : i32 to vector<16xi32>
    %eq3A_778 = arith.cmpi eq, %add3A_7, %add3A_775 : vector<16xi32>
    %all_reduce_population_count3A_779 = tpu.all_reduce %eq3A_778 {dim = 0 : i64, kind = #tpu.reduction_kind<sum>} : vector<16xi1> -> vector<16xi32>
    %add3A_780 = arith.addi %broadcast_in_dim3A_777, %all_reduce_population_count3A_779 : vector<16xi32>
    %eq3A_781 = arith.cmpi eq, %add3A_15, %add3A_775 : vector<16xi32>
    %all_reduce_population_count3A_782 = tpu.all_reduce %eq3A_781 {dim = 0 : i64, kind = #tpu.reduction_kind<sum>} : vector<16xi1> -> vector<16xi32>
    %add3A_783 = arith.addi %add3A_780, %all_reduce_population_count3A_782 : vector<16xi32>
    %eq3A_784 = arith.cmpi eq, %add3A_23, %add3A_775 : vector<16xi32>
    %all_reduce_population_count3A_785 = tpu.all_reduce %eq3A_784 {dim = 0 : i64, kind = #tpu.reduction_kind<sum>} : vector<16xi1> -> vector<16xi32>
    %add3A_786 = arith.addi %add3A_783, %all_reduce_population_count3A_785 : vector<16xi32>
    %eq3A_787 = arith.cmpi eq, %add3A_31, %add3A_775 : vector<16xi32>
    %all_reduce_population_count3A_788 = tpu.all_reduce %eq3A_787 {dim = 0 : i64, kind = #tpu.reduction_kind<sum>} : vector<16xi1> -> vector<16xi32>
    %add3A_789 = arith.addi %add3A_786, %all_reduce_population_count3A_788 : vector<16xi32>
    %eq3A_790 = arith.cmpi eq, %add3A_39, %add3A_775 : vector<16xi32>
    %all_reduce_population_count3A_791 = tpu.all_reduce %eq3A_790 {dim = 0 : i64, kind = #tpu.reduction_kind<sum>} : vector<16xi1> -> vector<16xi32>
    %add3A_792 = arith.addi %add3A_789, %all_reduce_population_count3A_791 : vector<16xi32>
    %eq3A_793 = arith.cmpi eq, %add3A_47, %add3A_775 : vector<16xi32>
    %all_reduce_population_count3A_794 = tpu.all_reduce %eq3A_793 {dim = 0 : i64, kind = #tpu.reduction_kind<sum>} : vector<16xi1> -> vector<16xi32>
    %add3A_795 = arith.addi %add3A_792, %all_reduce_population_count3A_794 : vector<16xi32>
    %eq3A_796 = arith.cmpi eq, %add3A_55, %add3A_775 : vector<16xi32>
    %all_reduce_population_count3A_797 = tpu.all_reduce %eq3A_796 {dim = 0 : i64, kind = #tpu.reduction_kind<sum>} : vector<16xi1> -> vector<16xi32>
    %add3A_798 = arith.addi %add3A_795, %all_reduce_population_count3A_797 : vector<16xi32>
    %eq3A_799 = arith.cmpi eq, %add3A_63, %add3A_775 : vector<16xi32>
    %all_reduce_population_count3A_800 = tpu.all_reduce %eq3A_799 {dim = 0 : i64, kind = #tpu.reduction_kind<sum>} : vector<16xi1> -> vector<16xi32>
    %add3A_801 = arith.addi %add3A_798, %all_reduce_population_count3A_800 : vector<16xi32>
    %eq3A_802 = arith.constant 0 : i32
    %eq3A_803 = vector.broadcast %eq3A_802 : i32 to vector<16xi32>
    %eq3A_804 = arith.cmpi eq, %iota3A, %eq3A_803 : vector<16xi32>
    %select_n3A_805 = arith.select %eq3A_804, %add3A_801, %broadcast_in_dim3A_766 : vector<16xi1>, vector<16xi32>
    %broadcast_in_dim3A_806 = arith.constant 0 : i32
    %broadcast_in_dim3A_807 = vector.broadcast %broadcast_in_dim3A_806 : i32 to vector<16xi32>
    %mul3A_808 = arith.constant 18 : i32
    %mul3A_809 = arith.muli %select_n3A_746, %mul3A_808 : i32
    %add3A_810 = arith.addi %mul3A_809, %mul3A_764 : i32
    %add3A_811 = arith.constant 1 : i32
    %add3A_812 = arith.addi %add3A_810, %add3A_811 : i32
    %add3A_813 = vector.broadcast %add3A_812 : i32 to vector<16xi32>
    %add3A_814 = arith.addi %broadcast_in_dim3A_807, %add3A_813 : vector<16xi32>
    %broadcast_in_dim3A_815 = arith.constant 0 : i32
    %broadcast_in_dim3A_816 = vector.broadcast %broadcast_in_dim3A_815 : i32 to vector<16xi32>
    %eq3A_817 = arith.cmpi eq, %add3A_7, %add3A_814 : vector<16xi32>
    %all_reduce_population_count3A_818 = tpu.all_reduce %eq3A_817 {dim = 0 : i64, kind = #tpu.reduction_kind<sum>} : vector<16xi1> -> vector<16xi32>
    %add3A_819 = arith.addi %broadcast_in_dim3A_816, %all_reduce_population_count3A_818 : vector<16xi32>
    %eq3A_820 = arith.cmpi eq, %add3A_15, %add3A_814 : vector<16xi32>
    %all_reduce_population_count3A_821 = tpu.all_reduce %eq3A_820 {dim = 0 : i64, kind = #tpu.reduction_kind<sum>} : vector<16xi1> -> vector<16xi32>
    %add3A_822 = arith.addi %add3A_819, %all_reduce_population_count3A_821 : vector<16xi32>
    %eq3A_823 = arith.cmpi eq, %add3A_23, %add3A_814 : vector<16xi32>
    %all_reduce_population_count3A_824 = tpu.all_reduce %eq3A_823 {dim = 0 : i64, kind = #tpu.reduction_kind<sum>} : vector<16xi1> -> vector<16xi32>
    %add3A_825 = arith.addi %add3A_822, %all_reduce_population_count3A_824 : vector<16xi32>
    %eq3A_826 = arith.cmpi eq, %add3A_31, %add3A_814 : vector<16xi32>
    %all_reduce_population_count3A_827 = tpu.all_reduce %eq3A_826 {dim = 0 : i64, kind = #tpu.reduction_kind<sum>} : vector<16xi1> -> vector<16xi32>
    %add3A_828 = arith.addi %add3A_825, %all_reduce_population_count3A_827 : vector<16xi32>
    %eq3A_829 = arith.cmpi eq, %add3A_39, %add3A_814 : vector<16xi32>
    %all_reduce_population_count3A_830 = tpu.all_reduce %eq3A_829 {dim = 0 : i64, kind = #tpu.reduction_kind<sum>} : vector<16xi1> -> vector<16xi32>
    %add3A_831 = arith.addi %add3A_828, %all_reduce_population_count3A_830 : vector<16xi32>
    %eq3A_832 = arith.cmpi eq, %add3A_47, %add3A_814 : vector<16xi32>
    %all_reduce_population_count3A_833 = tpu.all_reduce %eq3A_832 {dim = 0 : i64, kind = #tpu.reduction_kind<sum>} : vector<16xi1> -> vector<16xi32>
    %add3A_834 = arith.addi %add3A_831, %all_reduce_population_count3A_833 : vector<16xi32>
    %eq3A_835 = arith.cmpi eq, %add3A_55, %add3A_814 : vector<16xi32>
    %all_reduce_population_count3A_836 = tpu.all_reduce %eq3A_835 {dim = 0 : i64, kind = #tpu.reduction_kind<sum>} : vector<16xi1> -> vector<16xi32>
    %add3A_837 = arith.addi %add3A_834, %all_reduce_population_count3A_836 : vector<16xi32>
    %eq3A_838 = arith.cmpi eq, %add3A_63, %add3A_814 : vector<16xi32>
    %all_reduce_population_count3A_839 = tpu.all_reduce %eq3A_838 {dim = 0 : i64, kind = #tpu.reduction_kind<sum>} : vector<16xi1> -> vector<16xi32>
    %add3A_840 = arith.addi %add3A_837, %all_reduce_population_count3A_839 : vector<16xi32>
    %eq3A_841 = arith.constant 1 : i32
    %eq3A_842 = vector.broadcast %eq3A_841 : i32 to vector<16xi32>
    %eq3A_843 = arith.cmpi eq, %iota3A, %eq3A_842 : vector<16xi32>
    %select_n3A_844 = arith.select %eq3A_843, %add3A_840, %select_n3A_805 : vector<16xi1>, vector<16xi32>
    %broadcast_in_dim3A_845 = arith.constant 0 : i32
    %broadcast_in_dim3A_846 = vector.broadcast %broadcast_in_dim3A_845 : i32 to vector<16xi32>
    %mul3A_847 = arith.constant 18 : i32
    %mul3A_848 = arith.muli %select_n3A_746, %mul3A_847 : i32
    %add3A_849 = arith.addi %mul3A_848, %mul3A_764 : i32
    %add3A_850 = arith.constant 2 : i32
    %add3A_851 = arith.addi %add3A_849, %add3A_850 : i32
    %add3A_852 = vector.broadcast %add3A_851 : i32 to vector<16xi32>
    %add3A_853 = arith.addi %broadcast_in_dim3A_846, %add3A_852 : vector<16xi32>
    %broadcast_in_dim3A_854 = arith.constant 0 : i32
    %broadcast_in_dim3A_855 = vector.broadcast %broadcast_in_dim3A_854 : i32 to vector<16xi32>
    %eq3A_856 = arith.cmpi eq, %add3A_7, %add3A_853 : vector<16xi32>
    %all_reduce_population_count3A_857 = tpu.all_reduce %eq3A_856 {dim = 0 : i64, kind = #tpu.reduction_kind<sum>} : vector<16xi1> -> vector<16xi32>
    %add3A_858 = arith.addi %broadcast_in_dim3A_855, %all_reduce_population_count3A_857 : vector<16xi32>
    %eq3A_859 = arith.cmpi eq, %add3A_15, %add3A_853 : vector<16xi32>
    %all_reduce_population_count3A_860 = tpu.all_reduce %eq3A_859 {dim = 0 : i64, kind = #tpu.reduction_kind<sum>} : vector<16xi1> -> vector<16xi32>
    %add3A_861 = arith.addi %add3A_858, %all_reduce_population_count3A_860 : vector<16xi32>
    %eq3A_862 = arith.cmpi eq, %add3A_23, %add3A_853 : vector<16xi32>
    %all_reduce_population_count3A_863 = tpu.all_reduce %eq3A_862 {dim = 0 : i64, kind = #tpu.reduction_kind<sum>} : vector<16xi1> -> vector<16xi32>
    %add3A_864 = arith.addi %add3A_861, %all_reduce_population_count3A_863 : vector<16xi32>
    %eq3A_865 = arith.cmpi eq, %add3A_31, %add3A_853 : vector<16xi32>
    %all_reduce_population_count3A_866 = tpu.all_reduce %eq3A_865 {dim = 0 : i64, kind = #tpu.reduction_kind<sum>} : vector<16xi1> -> vector<16xi32>
    %add3A_867 = arith.addi %add3A_864, %all_reduce_population_count3A_866 : vector<16xi32>
    %eq3A_868 = arith.cmpi eq, %add3A_39, %add3A_853 : vector<16xi32>
    %all_reduce_population_count3A_869 = tpu.all_reduce %eq3A_868 {dim = 0 : i64, kind = #tpu.reduction_kind<sum>} : vector<16xi1> -> vector<16xi32>
    %add3A_870 = arith.addi %add3A_867, %all_reduce_population_count3A_869 : vector<16xi32>
    %eq3A_871 = arith.cmpi eq, %add3A_47, %add3A_853 : vector<16xi32>
    %all_reduce_population_count3A_872 = tpu.all_reduce %eq3A_871 {dim = 0 : i64, kind = #tpu.reduction_kind<sum>} : vector<16xi1> -> vector<16xi32>
    %add3A_873 = arith.addi %add3A_870, %all_reduce_population_count3A_872 : vector<16xi32>
    %eq3A_874 = arith.cmpi eq, %add3A_55, %add3A_853 : vector<16xi32>
    %all_reduce_population_count3A_875 = tpu.all_reduce %eq3A_874 {dim = 0 : i64, kind = #tpu.reduction_kind<sum>} : vector<16xi1> -> vector<16xi32>
    %add3A_876 = arith.addi %add3A_873, %all_reduce_population_count3A_875 : vector<16xi32>
    %eq3A_877 = arith.cmpi eq, %add3A_63, %add3A_853 : vector<16xi32>
    %all_reduce_population_count3A_878 = tpu.all_reduce %eq3A_877 {dim = 0 : i64, kind = #tpu.reduction_kind<sum>} : vector<16xi1> -> vector<16xi32>
    %add3A_879 = arith.addi %add3A_876, %all_reduce_population_count3A_878 : vector<16xi32>
    %eq3A_880 = arith.constant 2 : i32
    %eq3A_881 = vector.broadcast %eq3A_880 : i32 to vector<16xi32>
    %eq3A_882 = arith.cmpi eq, %iota3A, %eq3A_881 : vector<16xi32>
    %select_n3A_883 = arith.select %eq3A_882, %add3A_879, %select_n3A_844 : vector<16xi1>, vector<16xi32>
    %broadcast_in_dim3A_884 = arith.constant 0 : i32
    %broadcast_in_dim3A_885 = vector.broadcast %broadcast_in_dim3A_884 : i32 to vector<16xi32>
    %mul3A_886 = arith.constant 18 : i32
    %mul3A_887 = arith.muli %select_n3A_746, %mul3A_886 : i32
    %add3A_888 = arith.addi %mul3A_887, %mul3A_764 : i32
    %add3A_889 = arith.constant 3 : i32
    %add3A_890 = arith.addi %add3A_888, %add3A_889 : i32
    %add3A_891 = vector.broadcast %add3A_890 : i32 to vector<16xi32>
    %add3A_892 = arith.addi %broadcast_in_dim3A_885, %add3A_891 : vector<16xi32>
    %broadcast_in_dim3A_893 = arith.constant 0 : i32
    %broadcast_in_dim3A_894 = vector.broadcast %broadcast_in_dim3A_893 : i32 to vector<16xi32>
    %eq3A_895 = arith.cmpi eq, %add3A_7, %add3A_892 : vector<16xi32>
    %all_reduce_population_count3A_896 = tpu.all_reduce %eq3A_895 {dim = 0 : i64, kind = #tpu.reduction_kind<sum>} : vector<16xi1> -> vector<16xi32>
    %add3A_897 = arith.addi %broadcast_in_dim3A_894, %all_reduce_population_count3A_896 : vector<16xi32>
    %eq3A_898 = arith.cmpi eq, %add3A_15, %add3A_892 : vector<16xi32>
    %all_reduce_population_count3A_899 = tpu.all_reduce %eq3A_898 {dim = 0 : i64, kind = #tpu.reduction_kind<sum>} : vector<16xi1> -> vector<16xi32>
    %add3A_900 = arith.addi %add3A_897, %all_reduce_population_count3A_899 : vector<16xi32>
    %eq3A_901 = arith.cmpi eq, %add3A_23, %add3A_892 : vector<16xi32>
    %all_reduce_population_count3A_902 = tpu.all_reduce %eq3A_901 {dim = 0 : i64, kind = #tpu.reduction_kind<sum>} : vector<16xi1> -> vector<16xi32>
    %add3A_903 = arith.addi %add3A_900, %all_reduce_population_count3A_902 : vector<16xi32>
    %eq3A_904 = arith.cmpi eq, %add3A_31, %add3A_892 : vector<16xi32>
    %all_reduce_population_count3A_905 = tpu.all_reduce %eq3A_904 {dim = 0 : i64, kind = #tpu.reduction_kind<sum>} : vector<16xi1> -> vector<16xi32>
    %add3A_906 = arith.addi %add3A_903, %all_reduce_population_count3A_905 : vector<16xi32>
    %eq3A_907 = arith.cmpi eq, %add3A_39, %add3A_892 : vector<16xi32>
    %all_reduce_population_count3A_908 = tpu.all_reduce %eq3A_907 {dim = 0 : i64, kind = #tpu.reduction_kind<sum>} : vector<16xi1> -> vector<16xi32>
    %add3A_909 = arith.addi %add3A_906, %all_reduce_population_count3A_908 : vector<16xi32>
    %eq3A_910 = arith.cmpi eq, %add3A_47, %add3A_892 : vector<16xi32>
    %all_reduce_population_count3A_911 = tpu.all_reduce %eq3A_910 {dim = 0 : i64, kind = #tpu.reduction_kind<sum>} : vector<16xi1> -> vector<16xi32>
    %add3A_912 = arith.addi %add3A_909, %all_reduce_population_count3A_911 : vector<16xi32>
    %eq3A_913 = arith.cmpi eq, %add3A_55, %add3A_892 : vector<16xi32>
    %all_reduce_population_count3A_914 = tpu.all_reduce %eq3A_913 {dim = 0 : i64, kind = #tpu.reduction_kind<sum>} : vector<16xi1> -> vector<16xi32>
    %add3A_915 = arith.addi %add3A_912, %all_reduce_population_count3A_914 : vector<16xi32>
    %eq3A_916 = arith.cmpi eq, %add3A_63, %add3A_892 : vector<16xi32>
    %all_reduce_population_count3A_917 = tpu.all_reduce %eq3A_916 {dim = 0 : i64, kind = #tpu.reduction_kind<sum>} : vector<16xi1> -> vector<16xi32>
    %add3A_918 = arith.addi %add3A_915, %all_reduce_population_count3A_917 : vector<16xi32>
    %eq3A_919 = arith.constant 3 : i32
    %eq3A_920 = vector.broadcast %eq3A_919 : i32 to vector<16xi32>
    %eq3A_921 = arith.cmpi eq, %iota3A, %eq3A_920 : vector<16xi32>
    %select_n3A_922 = arith.select %eq3A_921, %add3A_918, %select_n3A_883 : vector<16xi1>, vector<16xi32>
    %broadcast_in_dim3A_923 = arith.constant 0 : i32
    %broadcast_in_dim3A_924 = vector.broadcast %broadcast_in_dim3A_923 : i32 to vector<16xi32>
    %mul3A_925 = arith.constant 18 : i32
    %mul3A_926 = arith.muli %select_n3A_746, %mul3A_925 : i32
    %add3A_927 = arith.addi %mul3A_926, %mul3A_764 : i32
    %add3A_928 = arith.constant 4 : i32
    %add3A_929 = arith.addi %add3A_927, %add3A_928 : i32
    %add3A_930 = vector.broadcast %add3A_929 : i32 to vector<16xi32>
    %add3A_931 = arith.addi %broadcast_in_dim3A_924, %add3A_930 : vector<16xi32>
    %broadcast_in_dim3A_932 = arith.constant 0 : i32
    %broadcast_in_dim3A_933 = vector.broadcast %broadcast_in_dim3A_932 : i32 to vector<16xi32>
    %eq3A_934 = arith.cmpi eq, %add3A_7, %add3A_931 : vector<16xi32>
    %all_reduce_population_count3A_935 = tpu.all_reduce %eq3A_934 {dim = 0 : i64, kind = #tpu.reduction_kind<sum>} : vector<16xi1> -> vector<16xi32>
    %add3A_936 = arith.addi %broadcast_in_dim3A_933, %all_reduce_population_count3A_935 : vector<16xi32>
    %eq3A_937 = arith.cmpi eq, %add3A_15, %add3A_931 : vector<16xi32>
    %all_reduce_population_count3A_938 = tpu.all_reduce %eq3A_937 {dim = 0 : i64, kind = #tpu.reduction_kind<sum>} : vector<16xi1> -> vector<16xi32>
    %add3A_939 = arith.addi %add3A_936, %all_reduce_population_count3A_938 : vector<16xi32>
    %eq3A_940 = arith.cmpi eq, %add3A_23, %add3A_931 : vector<16xi32>
    %all_reduce_population_count3A_941 = tpu.all_reduce %eq3A_940 {dim = 0 : i64, kind = #tpu.reduction_kind<sum>} : vector<16xi1> -> vector<16xi32>
    %add3A_942 = arith.addi %add3A_939, %all_reduce_population_count3A_941 : vector<16xi32>
    %eq3A_943 = arith.cmpi eq, %add3A_31, %add3A_931 : vector<16xi32>
    %all_reduce_population_count3A_944 = tpu.all_reduce %eq3A_943 {dim = 0 : i64, kind = #tpu.reduction_kind<sum>} : vector<16xi1> -> vector<16xi32>
    %add3A_945 = arith.addi %add3A_942, %all_reduce_population_count3A_944 : vector<16xi32>
    %eq3A_946 = arith.cmpi eq, %add3A_39, %add3A_931 : vector<16xi32>
    %all_reduce_population_count3A_947 = tpu.all_reduce %eq3A_946 {dim = 0 : i64, kind = #tpu.reduction_kind<sum>} : vector<16xi1> -> vector<16xi32>
    %add3A_948 = arith.addi %add3A_945, %all_reduce_population_count3A_947 : vector<16xi32>
    %eq3A_949 = arith.cmpi eq, %add3A_47, %add3A_931 : vector<16xi32>
    %all_reduce_population_count3A_950 = tpu.all_reduce %eq3A_949 {dim = 0 : i64, kind = #tpu.reduction_kind<sum>} : vector<16xi1> -> vector<16xi32>
    %add3A_951 = arith.addi %add3A_948, %all_reduce_population_count3A_950 : vector<16xi32>
    %eq3A_952 = arith.cmpi eq, %add3A_55, %add3A_931 : vector<16xi32>
    %all_reduce_population_count3A_953 = tpu.all_reduce %eq3A_952 {dim = 0 : i64, kind = #tpu.reduction_kind<sum>} : vector<16xi1> -> vector<16xi32>
    %add3A_954 = arith.addi %add3A_951, %all_reduce_population_count3A_953 : vector<16xi32>
    %eq3A_955 = arith.cmpi eq, %add3A_63, %add3A_931 : vector<16xi32>
    %all_reduce_population_count3A_956 = tpu.all_reduce %eq3A_955 {dim = 0 : i64, kind = #tpu.reduction_kind<sum>} : vector<16xi1> -> vector<16xi32>
    %add3A_957 = arith.addi %add3A_954, %all_reduce_population_count3A_956 : vector<16xi32>
    %eq3A_958 = arith.constant 4 : i32
    %eq3A_959 = vector.broadcast %eq3A_958 : i32 to vector<16xi32>
    %eq3A_960 = arith.cmpi eq, %iota3A, %eq3A_959 : vector<16xi32>
    %select_n3A_961 = arith.select %eq3A_960, %add3A_957, %select_n3A_922 : vector<16xi1>, vector<16xi32>
    %broadcast_in_dim3A_962 = arith.constant 0 : i32
    %broadcast_in_dim3A_963 = vector.broadcast %broadcast_in_dim3A_962 : i32 to vector<16xi32>
    %mul3A_964 = arith.constant 18 : i32
    %mul3A_965 = arith.muli %select_n3A_746, %mul3A_964 : i32
    %add3A_966 = arith.addi %mul3A_965, %mul3A_764 : i32
    %add3A_967 = arith.constant 5 : i32
    %add3A_968 = arith.addi %add3A_966, %add3A_967 : i32
    %add3A_969 = vector.broadcast %add3A_968 : i32 to vector<16xi32>
    %add3A_970 = arith.addi %broadcast_in_dim3A_963, %add3A_969 : vector<16xi32>
    %broadcast_in_dim3A_971 = arith.constant 0 : i32
    %broadcast_in_dim3A_972 = vector.broadcast %broadcast_in_dim3A_971 : i32 to vector<16xi32>
    %eq3A_973 = arith.cmpi eq, %add3A_7, %add3A_970 : vector<16xi32>
    %all_reduce_population_count3A_974 = tpu.all_reduce %eq3A_973 {dim = 0 : i64, kind = #tpu.reduction_kind<sum>} : vector<16xi1> -> vector<16xi32>
    %add3A_975 = arith.addi %broadcast_in_dim3A_972, %all_reduce_population_count3A_974 : vector<16xi32>
    %eq3A_976 = arith.cmpi eq, %add3A_15, %add3A_970 : vector<16xi32>
    %all_reduce_population_count3A_977 = tpu.all_reduce %eq3A_976 {dim = 0 : i64, kind = #tpu.reduction_kind<sum>} : vector<16xi1> -> vector<16xi32>
    %add3A_978 = arith.addi %add3A_975, %all_reduce_population_count3A_977 : vector<16xi32>
    %eq3A_979 = arith.cmpi eq, %add3A_23, %add3A_970 : vector<16xi32>
    %all_reduce_population_count3A_980 = tpu.all_reduce %eq3A_979 {dim = 0 : i64, kind = #tpu.reduction_kind<sum>} : vector<16xi1> -> vector<16xi32>
    %add3A_981 = arith.addi %add3A_978, %all_reduce_population_count3A_980 : vector<16xi32>
    %eq3A_982 = arith.cmpi eq, %add3A_31, %add3A_970 : vector<16xi32>
    %all_reduce_population_count3A_983 = tpu.all_reduce %eq3A_982 {dim = 0 : i64, kind = #tpu.reduction_kind<sum>} : vector<16xi1> -> vector<16xi32>
    %add3A_984 = arith.addi %add3A_981, %all_reduce_population_count3A_983 : vector<16xi32>
    %eq3A_985 = arith.cmpi eq, %add3A_39, %add3A_970 : vector<16xi32>
    %all_reduce_population_count3A_986 = tpu.all_reduce %eq3A_985 {dim = 0 : i64, kind = #tpu.reduction_kind<sum>} : vector<16xi1> -> vector<16xi32>
    %add3A_987 = arith.addi %add3A_984, %all_reduce_population_count3A_986 : vector<16xi32>
    %eq3A_988 = arith.cmpi eq, %add3A_47, %add3A_970 : vector<16xi32>
    %all_reduce_population_count3A_989 = tpu.all_reduce %eq3A_988 {dim = 0 : i64, kind = #tpu.reduction_kind<sum>} : vector<16xi1> -> vector<16xi32>
    %add3A_990 = arith.addi %add3A_987, %all_reduce_population_count3A_989 : vector<16xi32>
    %eq3A_991 = arith.cmpi eq, %add3A_55, %add3A_970 : vector<16xi32>
    %all_reduce_population_count3A_992 = tpu.all_reduce %eq3A_991 {dim = 0 : i64, kind = #tpu.reduction_kind<sum>} : vector<16xi1> -> vector<16xi32>
    %add3A_993 = arith.addi %add3A_990, %all_reduce_population_count3A_992 : vector<16xi32>
    %eq3A_994 = arith.cmpi eq, %add3A_63, %add3A_970 : vector<16xi32>
    %all_reduce_population_count3A_995 = tpu.all_reduce %eq3A_994 {dim = 0 : i64, kind = #tpu.reduction_kind<sum>} : vector<16xi1> -> vector<16xi32>
    %add3A_996 = arith.addi %add3A_993, %all_reduce_population_count3A_995 : vector<16xi32>
    %eq3A_997 = arith.constant 5 : i32
    %eq3A_998 = vector.broadcast %eq3A_997 : i32 to vector<16xi32>
    %eq3A_999 = arith.cmpi eq, %iota3A, %eq3A_998 : vector<16xi32>
    %select_n3A_1000 = arith.select %eq3A_999, %add3A_996, %select_n3A_961 : vector<16xi1>, vector<16xi32>
    %broadcast_in_dim3A_1001 = arith.constant 0 : i32
    %broadcast_in_dim3A_1002 = vector.broadcast %broadcast_in_dim3A_1001 : i32 to vector<16xi32>
    %mul3A_1003 = arith.constant 18 : i32
    %mul3A_1004 = arith.muli %select_n3A_746, %mul3A_1003 : i32
    %add3A_1005 = arith.addi %mul3A_1004, %mul3A_764 : i32
    %add3A_1006 = arith.constant 6 : i32
    %add3A_1007 = arith.addi %add3A_1005, %add3A_1006 : i32
    %add3A_1008 = vector.broadcast %add3A_1007 : i32 to vector<16xi32>
    %add3A_1009 = arith.addi %broadcast_in_dim3A_1002, %add3A_1008 : vector<16xi32>
    %broadcast_in_dim3A_1010 = arith.constant 0 : i32
    %broadcast_in_dim3A_1011 = vector.broadcast %broadcast_in_dim3A_1010 : i32 to vector<16xi32>
    %eq3A_1012 = arith.cmpi eq, %add3A_7, %add3A_1009 : vector<16xi32>
    %all_reduce_population_count3A_1013 = tpu.all_reduce %eq3A_1012 {dim = 0 : i64, kind = #tpu.reduction_kind<sum>} : vector<16xi1> -> vector<16xi32>
    %add3A_1014 = arith.addi %broadcast_in_dim3A_1011, %all_reduce_population_count3A_1013 : vector<16xi32>
    %eq3A_1015 = arith.cmpi eq, %add3A_15, %add3A_1009 : vector<16xi32>
    %all_reduce_population_count3A_1016 = tpu.all_reduce %eq3A_1015 {dim = 0 : i64, kind = #tpu.reduction_kind<sum>} : vector<16xi1> -> vector<16xi32>
    %add3A_1017 = arith.addi %add3A_1014, %all_reduce_population_count3A_1016 : vector<16xi32>
    %eq3A_1018 = arith.cmpi eq, %add3A_23, %add3A_1009 : vector<16xi32>
    %all_reduce_population_count3A_1019 = tpu.all_reduce %eq3A_1018 {dim = 0 : i64, kind = #tpu.reduction_kind<sum>} : vector<16xi1> -> vector<16xi32>
    %add3A_1020 = arith.addi %add3A_1017, %all_reduce_population_count3A_1019 : vector<16xi32>
    %eq3A_1021 = arith.cmpi eq, %add3A_31, %add3A_1009 : vector<16xi32>
    %all_reduce_population_count3A_1022 = tpu.all_reduce %eq3A_1021 {dim = 0 : i64, kind = #tpu.reduction_kind<sum>} : vector<16xi1> -> vector<16xi32>
    %add3A_1023 = arith.addi %add3A_1020, %all_reduce_population_count3A_1022 : vector<16xi32>
    %eq3A_1024 = arith.cmpi eq, %add3A_39, %add3A_1009 : vector<16xi32>
    %all_reduce_population_count3A_1025 = tpu.all_reduce %eq3A_1024 {dim = 0 : i64, kind = #tpu.reduction_kind<sum>} : vector<16xi1> -> vector<16xi32>
    %add3A_1026 = arith.addi %add3A_1023, %all_reduce_population_count3A_1025 : vector<16xi32>
    %eq3A_1027 = arith.cmpi eq, %add3A_47, %add3A_1009 : vector<16xi32>
    %all_reduce_population_count3A_1028 = tpu.all_reduce %eq3A_1027 {dim = 0 : i64, kind = #tpu.reduction_kind<sum>} : vector<16xi1> -> vector<16xi32>
    %add3A_1029 = arith.addi %add3A_1026, %all_reduce_population_count3A_1028 : vector<16xi32>
    %eq3A_1030 = arith.cmpi eq, %add3A_55, %add3A_1009 : vector<16xi32>
    %all_reduce_population_count3A_1031 = tpu.all_reduce %eq3A_1030 {dim = 0 : i64, kind = #tpu.reduction_kind<sum>} : vector<16xi1> -> vector<16xi32>
    %add3A_1032 = arith.addi %add3A_1029, %all_reduce_population_count3A_1031 : vector<16xi32>
    %eq3A_1033 = arith.cmpi eq, %add3A_63, %add3A_1009 : vector<16xi32>
    %all_reduce_population_count3A_1034 = tpu.all_reduce %eq3A_1033 {dim = 0 : i64, kind = #tpu.reduction_kind<sum>} : vector<16xi1> -> vector<16xi32>
    %add3A_1035 = arith.addi %add3A_1032, %all_reduce_population_count3A_1034 : vector<16xi32>
    %eq3A_1036 = arith.constant 6 : i32
    %eq3A_1037 = vector.broadcast %eq3A_1036 : i32 to vector<16xi32>
    %eq3A_1038 = arith.cmpi eq, %iota3A, %eq3A_1037 : vector<16xi32>
    %select_n3A_1039 = arith.select %eq3A_1038, %add3A_1035, %select_n3A_1000 : vector<16xi1>, vector<16xi32>
    %broadcast_in_dim3A_1040 = arith.constant 0 : i32
    %broadcast_in_dim3A_1041 = vector.broadcast %broadcast_in_dim3A_1040 : i32 to vector<16xi32>
    %mul3A_1042 = arith.constant 18 : i32
    %mul3A_1043 = arith.muli %select_n3A_746, %mul3A_1042 : i32
    %add3A_1044 = arith.addi %mul3A_1043, %mul3A_764 : i32
    %add3A_1045 = arith.constant 7 : i32
    %add3A_1046 = arith.addi %add3A_1044, %add3A_1045 : i32
    %add3A_1047 = vector.broadcast %add3A_1046 : i32 to vector<16xi32>
    %add3A_1048 = arith.addi %broadcast_in_dim3A_1041, %add3A_1047 : vector<16xi32>
    %broadcast_in_dim3A_1049 = arith.constant 0 : i32
    %broadcast_in_dim3A_1050 = vector.broadcast %broadcast_in_dim3A_1049 : i32 to vector<16xi32>
    %eq3A_1051 = arith.cmpi eq, %add3A_7, %add3A_1048 : vector<16xi32>
    %all_reduce_population_count3A_1052 = tpu.all_reduce %eq3A_1051 {dim = 0 : i64, kind = #tpu.reduction_kind<sum>} : vector<16xi1> -> vector<16xi32>
    %add3A_1053 = arith.addi %broadcast_in_dim3A_1050, %all_reduce_population_count3A_1052 : vector<16xi32>
    %eq3A_1054 = arith.cmpi eq, %add3A_15, %add3A_1048 : vector<16xi32>
    %all_reduce_population_count3A_1055 = tpu.all_reduce %eq3A_1054 {dim = 0 : i64, kind = #tpu.reduction_kind<sum>} : vector<16xi1> -> vector<16xi32>
    %add3A_1056 = arith.addi %add3A_1053, %all_reduce_population_count3A_1055 : vector<16xi32>
    %eq3A_1057 = arith.cmpi eq, %add3A_23, %add3A_1048 : vector<16xi32>
    %all_reduce_population_count3A_1058 = tpu.all_reduce %eq3A_1057 {dim = 0 : i64, kind = #tpu.reduction_kind<sum>} : vector<16xi1> -> vector<16xi32>
    %add3A_1059 = arith.addi %add3A_1056, %all_reduce_population_count3A_1058 : vector<16xi32>
    %eq3A_1060 = arith.cmpi eq, %add3A_31, %add3A_1048 : vector<16xi32>
    %all_reduce_population_count3A_1061 = tpu.all_reduce %eq3A_1060 {dim = 0 : i64, kind = #tpu.reduction_kind<sum>} : vector<16xi1> -> vector<16xi32>
    %add3A_1062 = arith.addi %add3A_1059, %all_reduce_population_count3A_1061 : vector<16xi32>
    %eq3A_1063 = arith.cmpi eq, %add3A_39, %add3A_1048 : vector<16xi32>
    %all_reduce_population_count3A_1064 = tpu.all_reduce %eq3A_1063 {dim = 0 : i64, kind = #tpu.reduction_kind<sum>} : vector<16xi1> -> vector<16xi32>
    %add3A_1065 = arith.addi %add3A_1062, %all_reduce_population_count3A_1064 : vector<16xi32>
    %eq3A_1066 = arith.cmpi eq, %add3A_47, %add3A_1048 : vector<16xi32>
    %all_reduce_population_count3A_1067 = tpu.all_reduce %eq3A_1066 {dim = 0 : i64, kind = #tpu.reduction_kind<sum>} : vector<16xi1> -> vector<16xi32>
    %add3A_1068 = arith.addi %add3A_1065, %all_reduce_population_count3A_1067 : vector<16xi32>
    %eq3A_1069 = arith.cmpi eq, %add3A_55, %add3A_1048 : vector<16xi32>
    %all_reduce_population_count3A_1070 = tpu.all_reduce %eq3A_1069 {dim = 0 : i64, kind = #tpu.reduction_kind<sum>} : vector<16xi1> -> vector<16xi32>
    %add3A_1071 = arith.addi %add3A_1068, %all_reduce_population_count3A_1070 : vector<16xi32>
    %eq3A_1072 = arith.cmpi eq, %add3A_63, %add3A_1048 : vector<16xi32>
    %all_reduce_population_count3A_1073 = tpu.all_reduce %eq3A_1072 {dim = 0 : i64, kind = #tpu.reduction_kind<sum>} : vector<16xi1> -> vector<16xi32>
    %add3A_1074 = arith.addi %add3A_1071, %all_reduce_population_count3A_1073 : vector<16xi32>
    %eq3A_1075 = arith.constant 7 : i32
    %eq3A_1076 = vector.broadcast %eq3A_1075 : i32 to vector<16xi32>
    %eq3A_1077 = arith.cmpi eq, %iota3A, %eq3A_1076 : vector<16xi32>
    %select_n3A_1078 = arith.select %eq3A_1077, %add3A_1074, %select_n3A_1039 : vector<16xi1>, vector<16xi32>
    %broadcast_in_dim3A_1079 = arith.constant 0 : i32
    %broadcast_in_dim3A_1080 = vector.broadcast %broadcast_in_dim3A_1079 : i32 to vector<16xi32>
    %mul3A_1081 = arith.constant 18 : i32
    %mul3A_1082 = arith.muli %select_n3A_746, %mul3A_1081 : i32
    %add3A_1083 = arith.addi %mul3A_1082, %mul3A_764 : i32
    %add3A_1084 = arith.constant 8 : i32
    %add3A_1085 = arith.addi %add3A_1083, %add3A_1084 : i32
    %add3A_1086 = vector.broadcast %add3A_1085 : i32 to vector<16xi32>
    %add3A_1087 = arith.addi %broadcast_in_dim3A_1080, %add3A_1086 : vector<16xi32>
    %broadcast_in_dim3A_1088 = arith.constant 0 : i32
    %broadcast_in_dim3A_1089 = vector.broadcast %broadcast_in_dim3A_1088 : i32 to vector<16xi32>
    %eq3A_1090 = arith.cmpi eq, %add3A_7, %add3A_1087 : vector<16xi32>
    %all_reduce_population_count3A_1091 = tpu.all_reduce %eq3A_1090 {dim = 0 : i64, kind = #tpu.reduction_kind<sum>} : vector<16xi1> -> vector<16xi32>
    %add3A_1092 = arith.addi %broadcast_in_dim3A_1089, %all_reduce_population_count3A_1091 : vector<16xi32>
    %eq3A_1093 = arith.cmpi eq, %add3A_15, %add3A_1087 : vector<16xi32>
    %all_reduce_population_count3A_1094 = tpu.all_reduce %eq3A_1093 {dim = 0 : i64, kind = #tpu.reduction_kind<sum>} : vector<16xi1> -> vector<16xi32>
    %add3A_1095 = arith.addi %add3A_1092, %all_reduce_population_count3A_1094 : vector<16xi32>
    %eq3A_1096 = arith.cmpi eq, %add3A_23, %add3A_1087 : vector<16xi32>
    %all_reduce_population_count3A_1097 = tpu.all_reduce %eq3A_1096 {dim = 0 : i64, kind = #tpu.reduction_kind<sum>} : vector<16xi1> -> vector<16xi32>
    %add3A_1098 = arith.addi %add3A_1095, %all_reduce_population_count3A_1097 : vector<16xi32>
    %eq3A_1099 = arith.cmpi eq, %add3A_31, %add3A_1087 : vector<16xi32>
    %all_reduce_population_count3A_1100 = tpu.all_reduce %eq3A_1099 {dim = 0 : i64, kind = #tpu.reduction_kind<sum>} : vector<16xi1> -> vector<16xi32>
    %add3A_1101 = arith.addi %add3A_1098, %all_reduce_population_count3A_1100 : vector<16xi32>
    %eq3A_1102 = arith.cmpi eq, %add3A_39, %add3A_1087 : vector<16xi32>
    %all_reduce_population_count3A_1103 = tpu.all_reduce %eq3A_1102 {dim = 0 : i64, kind = #tpu.reduction_kind<sum>} : vector<16xi1> -> vector<16xi32>
    %add3A_1104 = arith.addi %add3A_1101, %all_reduce_population_count3A_1103 : vector<16xi32>
    %eq3A_1105 = arith.cmpi eq, %add3A_47, %add3A_1087 : vector<16xi32>
    %all_reduce_population_count3A_1106 = tpu.all_reduce %eq3A_1105 {dim = 0 : i64, kind = #tpu.reduction_kind<sum>} : vector<16xi1> -> vector<16xi32>
    %add3A_1107 = arith.addi %add3A_1104, %all_reduce_population_count3A_1106 : vector<16xi32>
    %eq3A_1108 = arith.cmpi eq, %add3A_55, %add3A_1087 : vector<16xi32>
    %all_reduce_population_count3A_1109 = tpu.all_reduce %eq3A_1108 {dim = 0 : i64, kind = #tpu.reduction_kind<sum>} : vector<16xi1> -> vector<16xi32>
    %add3A_1110 = arith.addi %add3A_1107, %all_reduce_population_count3A_1109 : vector<16xi32>
    %eq3A_1111 = arith.cmpi eq, %add3A_63, %add3A_1087 : vector<16xi32>
    %all_reduce_population_count3A_1112 = tpu.all_reduce %eq3A_1111 {dim = 0 : i64, kind = #tpu.reduction_kind<sum>} : vector<16xi1> -> vector<16xi32>
    %add3A_1113 = arith.addi %add3A_1110, %all_reduce_population_count3A_1112 : vector<16xi32>
    %eq3A_1114 = arith.constant 8 : i32
    %eq3A_1115 = vector.broadcast %eq3A_1114 : i32 to vector<16xi32>
    %eq3A_1116 = arith.cmpi eq, %iota3A, %eq3A_1115 : vector<16xi32>
    %select_n3A_1117 = arith.select %eq3A_1116, %add3A_1113, %select_n3A_1078 : vector<16xi1>, vector<16xi32>
    %broadcast_in_dim3A_1118 = arith.constant 0 : i32
    %broadcast_in_dim3A_1119 = vector.broadcast %broadcast_in_dim3A_1118 : i32 to vector<16xi32>
    %mul3A_1120 = arith.constant 18 : i32
    %mul3A_1121 = arith.muli %select_n3A_746, %mul3A_1120 : i32
    %add3A_1122 = arith.addi %mul3A_1121, %mul3A_764 : i32
    %add3A_1123 = arith.constant 9 : i32
    %add3A_1124 = arith.addi %add3A_1122, %add3A_1123 : i32
    %add3A_1125 = vector.broadcast %add3A_1124 : i32 to vector<16xi32>
    %add3A_1126 = arith.addi %broadcast_in_dim3A_1119, %add3A_1125 : vector<16xi32>
    %broadcast_in_dim3A_1127 = arith.constant 0 : i32
    %broadcast_in_dim3A_1128 = vector.broadcast %broadcast_in_dim3A_1127 : i32 to vector<16xi32>
    %eq3A_1129 = arith.cmpi eq, %add3A_7, %add3A_1126 : vector<16xi32>
    %all_reduce_population_count3A_1130 = tpu.all_reduce %eq3A_1129 {dim = 0 : i64, kind = #tpu.reduction_kind<sum>} : vector<16xi1> -> vector<16xi32>
    %add3A_1131 = arith.addi %broadcast_in_dim3A_1128, %all_reduce_population_count3A_1130 : vector<16xi32>
    %eq3A_1132 = arith.cmpi eq, %add3A_15, %add3A_1126 : vector<16xi32>
    %all_reduce_population_count3A_1133 = tpu.all_reduce %eq3A_1132 {dim = 0 : i64, kind = #tpu.reduction_kind<sum>} : vector<16xi1> -> vector<16xi32>
    %add3A_1134 = arith.addi %add3A_1131, %all_reduce_population_count3A_1133 : vector<16xi32>
    %eq3A_1135 = arith.cmpi eq, %add3A_23, %add3A_1126 : vector<16xi32>
    %all_reduce_population_count3A_1136 = tpu.all_reduce %eq3A_1135 {dim = 0 : i64, kind = #tpu.reduction_kind<sum>} : vector<16xi1> -> vector<16xi32>
    %add3A_1137 = arith.addi %add3A_1134, %all_reduce_population_count3A_1136 : vector<16xi32>
    %eq3A_1138 = arith.cmpi eq, %add3A_31, %add3A_1126 : vector<16xi32>
    %all_reduce_population_count3A_1139 = tpu.all_reduce %eq3A_1138 {dim = 0 : i64, kind = #tpu.reduction_kind<sum>} : vector<16xi1> -> vector<16xi32>
    %add3A_1140 = arith.addi %add3A_1137, %all_reduce_population_count3A_1139 : vector<16xi32>
    %eq3A_1141 = arith.cmpi eq, %add3A_39, %add3A_1126 : vector<16xi32>
    %all_reduce_population_count3A_1142 = tpu.all_reduce %eq3A_1141 {dim = 0 : i64, kind = #tpu.reduction_kind<sum>} : vector<16xi1> -> vector<16xi32>
    %add3A_1143 = arith.addi %add3A_1140, %all_reduce_population_count3A_1142 : vector<16xi32>
    %eq3A_1144 = arith.cmpi eq, %add3A_47, %add3A_1126 : vector<16xi32>
    %all_reduce_population_count3A_1145 = tpu.all_reduce %eq3A_1144 {dim = 0 : i64, kind = #tpu.reduction_kind<sum>} : vector<16xi1> -> vector<16xi32>
    %add3A_1146 = arith.addi %add3A_1143, %all_reduce_population_count3A_1145 : vector<16xi32>
    %eq3A_1147 = arith.cmpi eq, %add3A_55, %add3A_1126 : vector<16xi32>
    %all_reduce_population_count3A_1148 = tpu.all_reduce %eq3A_1147 {dim = 0 : i64, kind = #tpu.reduction_kind<sum>} : vector<16xi1> -> vector<16xi32>
    %add3A_1149 = arith.addi %add3A_1146, %all_reduce_population_count3A_1148 : vector<16xi32>
    %eq3A_1150 = arith.cmpi eq, %add3A_63, %add3A_1126 : vector<16xi32>
    %all_reduce_population_count3A_1151 = tpu.all_reduce %eq3A_1150 {dim = 0 : i64, kind = #tpu.reduction_kind<sum>} : vector<16xi1> -> vector<16xi32>
    %add3A_1152 = arith.addi %add3A_1149, %all_reduce_population_count3A_1151 : vector<16xi32>
    %eq3A_1153 = arith.constant 9 : i32
    %eq3A_1154 = vector.broadcast %eq3A_1153 : i32 to vector<16xi32>
    %eq3A_1155 = arith.cmpi eq, %iota3A, %eq3A_1154 : vector<16xi32>
    %select_n3A_1156 = arith.select %eq3A_1155, %add3A_1152, %select_n3A_1117 : vector<16xi1>, vector<16xi32>
    %broadcast_in_dim3A_1157 = arith.constant 0 : i32
    %broadcast_in_dim3A_1158 = vector.broadcast %broadcast_in_dim3A_1157 : i32 to vector<16xi32>
    %mul3A_1159 = arith.constant 18 : i32
    %mul3A_1160 = arith.muli %select_n3A_746, %mul3A_1159 : i32
    %add3A_1161 = arith.addi %mul3A_1160, %mul3A_764 : i32
    %add3A_1162 = arith.constant 10 : i32
    %add3A_1163 = arith.addi %add3A_1161, %add3A_1162 : i32
    %add3A_1164 = vector.broadcast %add3A_1163 : i32 to vector<16xi32>
    %add3A_1165 = arith.addi %broadcast_in_dim3A_1158, %add3A_1164 : vector<16xi32>
    %broadcast_in_dim3A_1166 = arith.constant 0 : i32
    %broadcast_in_dim3A_1167 = vector.broadcast %broadcast_in_dim3A_1166 : i32 to vector<16xi32>
    %eq3A_1168 = arith.cmpi eq, %add3A_7, %add3A_1165 : vector<16xi32>
    %all_reduce_population_count3A_1169 = tpu.all_reduce %eq3A_1168 {dim = 0 : i64, kind = #tpu.reduction_kind<sum>} : vector<16xi1> -> vector<16xi32>
    %add3A_1170 = arith.addi %broadcast_in_dim3A_1167, %all_reduce_population_count3A_1169 : vector<16xi32>
    %eq3A_1171 = arith.cmpi eq, %add3A_15, %add3A_1165 : vector<16xi32>
    %all_reduce_population_count3A_1172 = tpu.all_reduce %eq3A_1171 {dim = 0 : i64, kind = #tpu.reduction_kind<sum>} : vector<16xi1> -> vector<16xi32>
    %add3A_1173 = arith.addi %add3A_1170, %all_reduce_population_count3A_1172 : vector<16xi32>
    %eq3A_1174 = arith.cmpi eq, %add3A_23, %add3A_1165 : vector<16xi32>
    %all_reduce_population_count3A_1175 = tpu.all_reduce %eq3A_1174 {dim = 0 : i64, kind = #tpu.reduction_kind<sum>} : vector<16xi1> -> vector<16xi32>
    %add3A_1176 = arith.addi %add3A_1173, %all_reduce_population_count3A_1175 : vector<16xi32>
    %eq3A_1177 = arith.cmpi eq, %add3A_31, %add3A_1165 : vector<16xi32>
    %all_reduce_population_count3A_1178 = tpu.all_reduce %eq3A_1177 {dim = 0 : i64, kind = #tpu.reduction_kind<sum>} : vector<16xi1> -> vector<16xi32>
    %add3A_1179 = arith.addi %add3A_1176, %all_reduce_population_count3A_1178 : vector<16xi32>
    %eq3A_1180 = arith.cmpi eq, %add3A_39, %add3A_1165 : vector<16xi32>
    %all_reduce_population_count3A_1181 = tpu.all_reduce %eq3A_1180 {dim = 0 : i64, kind = #tpu.reduction_kind<sum>} : vector<16xi1> -> vector<16xi32>
    %add3A_1182 = arith.addi %add3A_1179, %all_reduce_population_count3A_1181 : vector<16xi32>
    %eq3A_1183 = arith.cmpi eq, %add3A_47, %add3A_1165 : vector<16xi32>
    %all_reduce_population_count3A_1184 = tpu.all_reduce %eq3A_1183 {dim = 0 : i64, kind = #tpu.reduction_kind<sum>} : vector<16xi1> -> vector<16xi32>
    %add3A_1185 = arith.addi %add3A_1182, %all_reduce_population_count3A_1184 : vector<16xi32>
    %eq3A_1186 = arith.cmpi eq, %add3A_55, %add3A_1165 : vector<16xi32>
    %all_reduce_population_count3A_1187 = tpu.all_reduce %eq3A_1186 {dim = 0 : i64, kind = #tpu.reduction_kind<sum>} : vector<16xi1> -> vector<16xi32>
    %add3A_1188 = arith.addi %add3A_1185, %all_reduce_population_count3A_1187 : vector<16xi32>
    %eq3A_1189 = arith.cmpi eq, %add3A_63, %add3A_1165 : vector<16xi32>
    %all_reduce_population_count3A_1190 = tpu.all_reduce %eq3A_1189 {dim = 0 : i64, kind = #tpu.reduction_kind<sum>} : vector<16xi1> -> vector<16xi32>
    %add3A_1191 = arith.addi %add3A_1188, %all_reduce_population_count3A_1190 : vector<16xi32>
    %eq3A_1192 = arith.constant 10 : i32
    %eq3A_1193 = vector.broadcast %eq3A_1192 : i32 to vector<16xi32>
    %eq3A_1194 = arith.cmpi eq, %iota3A, %eq3A_1193 : vector<16xi32>
    %select_n3A_1195 = arith.select %eq3A_1194, %add3A_1191, %select_n3A_1156 : vector<16xi1>, vector<16xi32>
    %broadcast_in_dim3A_1196 = arith.constant 0 : i32
    %broadcast_in_dim3A_1197 = vector.broadcast %broadcast_in_dim3A_1196 : i32 to vector<16xi32>
    %mul3A_1198 = arith.constant 18 : i32
    %mul3A_1199 = arith.muli %select_n3A_746, %mul3A_1198 : i32
    %add3A_1200 = arith.addi %mul3A_1199, %mul3A_764 : i32
    %add3A_1201 = arith.constant 11 : i32
    %add3A_1202 = arith.addi %add3A_1200, %add3A_1201 : i32
    %add3A_1203 = vector.broadcast %add3A_1202 : i32 to vector<16xi32>
    %add3A_1204 = arith.addi %broadcast_in_dim3A_1197, %add3A_1203 : vector<16xi32>
    %broadcast_in_dim3A_1205 = arith.constant 0 : i32
    %broadcast_in_dim3A_1206 = vector.broadcast %broadcast_in_dim3A_1205 : i32 to vector<16xi32>
    %eq3A_1207 = arith.cmpi eq, %add3A_7, %add3A_1204 : vector<16xi32>
    %all_reduce_population_count3A_1208 = tpu.all_reduce %eq3A_1207 {dim = 0 : i64, kind = #tpu.reduction_kind<sum>} : vector<16xi1> -> vector<16xi32>
    %add3A_1209 = arith.addi %broadcast_in_dim3A_1206, %all_reduce_population_count3A_1208 : vector<16xi32>
    %eq3A_1210 = arith.cmpi eq, %add3A_15, %add3A_1204 : vector<16xi32>
    %all_reduce_population_count3A_1211 = tpu.all_reduce %eq3A_1210 {dim = 0 : i64, kind = #tpu.reduction_kind<sum>} : vector<16xi1> -> vector<16xi32>
    %add3A_1212 = arith.addi %add3A_1209, %all_reduce_population_count3A_1211 : vector<16xi32>
    %eq3A_1213 = arith.cmpi eq, %add3A_23, %add3A_1204 : vector<16xi32>
    %all_reduce_population_count3A_1214 = tpu.all_reduce %eq3A_1213 {dim = 0 : i64, kind = #tpu.reduction_kind<sum>} : vector<16xi1> -> vector<16xi32>
    %add3A_1215 = arith.addi %add3A_1212, %all_reduce_population_count3A_1214 : vector<16xi32>
    %eq3A_1216 = arith.cmpi eq, %add3A_31, %add3A_1204 : vector<16xi32>
    %all_reduce_population_count3A_1217 = tpu.all_reduce %eq3A_1216 {dim = 0 : i64, kind = #tpu.reduction_kind<sum>} : vector<16xi1> -> vector<16xi32>
    %add3A_1218 = arith.addi %add3A_1215, %all_reduce_population_count3A_1217 : vector<16xi32>
    %eq3A_1219 = arith.cmpi eq, %add3A_39, %add3A_1204 : vector<16xi32>
    %all_reduce_population_count3A_1220 = tpu.all_reduce %eq3A_1219 {dim = 0 : i64, kind = #tpu.reduction_kind<sum>} : vector<16xi1> -> vector<16xi32>
    %add3A_1221 = arith.addi %add3A_1218, %all_reduce_population_count3A_1220 : vector<16xi32>
    %eq3A_1222 = arith.cmpi eq, %add3A_47, %add3A_1204 : vector<16xi32>
    %all_reduce_population_count3A_1223 = tpu.all_reduce %eq3A_1222 {dim = 0 : i64, kind = #tpu.reduction_kind<sum>} : vector<16xi1> -> vector<16xi32>
    %add3A_1224 = arith.addi %add3A_1221, %all_reduce_population_count3A_1223 : vector<16xi32>
    %eq3A_1225 = arith.cmpi eq, %add3A_55, %add3A_1204 : vector<16xi32>
    %all_reduce_population_count3A_1226 = tpu.all_reduce %eq3A_1225 {dim = 0 : i64, kind = #tpu.reduction_kind<sum>} : vector<16xi1> -> vector<16xi32>
    %add3A_1227 = arith.addi %add3A_1224, %all_reduce_population_count3A_1226 : vector<16xi32>
    %eq3A_1228 = arith.cmpi eq, %add3A_63, %add3A_1204 : vector<16xi32>
    %all_reduce_population_count3A_1229 = tpu.all_reduce %eq3A_1228 {dim = 0 : i64, kind = #tpu.reduction_kind<sum>} : vector<16xi1> -> vector<16xi32>
    %add3A_1230 = arith.addi %add3A_1227, %all_reduce_population_count3A_1229 : vector<16xi32>
    %eq3A_1231 = arith.constant 11 : i32
    %eq3A_1232 = vector.broadcast %eq3A_1231 : i32 to vector<16xi32>
    %eq3A_1233 = arith.cmpi eq, %iota3A, %eq3A_1232 : vector<16xi32>
    %select_n3A_1234 = arith.select %eq3A_1233, %add3A_1230, %select_n3A_1195 : vector<16xi1>, vector<16xi32>
    %broadcast_in_dim3A_1235 = arith.constant 0 : i32
    %broadcast_in_dim3A_1236 = vector.broadcast %broadcast_in_dim3A_1235 : i32 to vector<16xi32>
    %mul3A_1237 = arith.constant 18 : i32
    %mul3A_1238 = arith.muli %select_n3A_746, %mul3A_1237 : i32
    %add3A_1239 = arith.addi %mul3A_1238, %mul3A_764 : i32
    %add3A_1240 = arith.constant 12 : i32
    %add3A_1241 = arith.addi %add3A_1239, %add3A_1240 : i32
    %add3A_1242 = vector.broadcast %add3A_1241 : i32 to vector<16xi32>
    %add3A_1243 = arith.addi %broadcast_in_dim3A_1236, %add3A_1242 : vector<16xi32>
    %broadcast_in_dim3A_1244 = arith.constant 0 : i32
    %broadcast_in_dim3A_1245 = vector.broadcast %broadcast_in_dim3A_1244 : i32 to vector<16xi32>
    %eq3A_1246 = arith.cmpi eq, %add3A_7, %add3A_1243 : vector<16xi32>
    %all_reduce_population_count3A_1247 = tpu.all_reduce %eq3A_1246 {dim = 0 : i64, kind = #tpu.reduction_kind<sum>} : vector<16xi1> -> vector<16xi32>
    %add3A_1248 = arith.addi %broadcast_in_dim3A_1245, %all_reduce_population_count3A_1247 : vector<16xi32>
    %eq3A_1249 = arith.cmpi eq, %add3A_15, %add3A_1243 : vector<16xi32>
    %all_reduce_population_count3A_1250 = tpu.all_reduce %eq3A_1249 {dim = 0 : i64, kind = #tpu.reduction_kind<sum>} : vector<16xi1> -> vector<16xi32>
    %add3A_1251 = arith.addi %add3A_1248, %all_reduce_population_count3A_1250 : vector<16xi32>
    %eq3A_1252 = arith.cmpi eq, %add3A_23, %add3A_1243 : vector<16xi32>
    %all_reduce_population_count3A_1253 = tpu.all_reduce %eq3A_1252 {dim = 0 : i64, kind = #tpu.reduction_kind<sum>} : vector<16xi1> -> vector<16xi32>
    %add3A_1254 = arith.addi %add3A_1251, %all_reduce_population_count3A_1253 : vector<16xi32>
    %eq3A_1255 = arith.cmpi eq, %add3A_31, %add3A_1243 : vector<16xi32>
    %all_reduce_population_count3A_1256 = tpu.all_reduce %eq3A_1255 {dim = 0 : i64, kind = #tpu.reduction_kind<sum>} : vector<16xi1> -> vector<16xi32>
    %add3A_1257 = arith.addi %add3A_1254, %all_reduce_population_count3A_1256 : vector<16xi32>
    %eq3A_1258 = arith.cmpi eq, %add3A_39, %add3A_1243 : vector<16xi32>
    %all_reduce_population_count3A_1259 = tpu.all_reduce %eq3A_1258 {dim = 0 : i64, kind = #tpu.reduction_kind<sum>} : vector<16xi1> -> vector<16xi32>
    %add3A_1260 = arith.addi %add3A_1257, %all_reduce_population_count3A_1259 : vector<16xi32>
    %eq3A_1261 = arith.cmpi eq, %add3A_47, %add3A_1243 : vector<16xi32>
    %all_reduce_population_count3A_1262 = tpu.all_reduce %eq3A_1261 {dim = 0 : i64, kind = #tpu.reduction_kind<sum>} : vector<16xi1> -> vector<16xi32>
    %add3A_1263 = arith.addi %add3A_1260, %all_reduce_population_count3A_1262 : vector<16xi32>
    %eq3A_1264 = arith.cmpi eq, %add3A_55, %add3A_1243 : vector<16xi32>
    %all_reduce_population_count3A_1265 = tpu.all_reduce %eq3A_1264 {dim = 0 : i64, kind = #tpu.reduction_kind<sum>} : vector<16xi1> -> vector<16xi32>
    %add3A_1266 = arith.addi %add3A_1263, %all_reduce_population_count3A_1265 : vector<16xi32>
    %eq3A_1267 = arith.cmpi eq, %add3A_63, %add3A_1243 : vector<16xi32>
    %all_reduce_population_count3A_1268 = tpu.all_reduce %eq3A_1267 {dim = 0 : i64, kind = #tpu.reduction_kind<sum>} : vector<16xi1> -> vector<16xi32>
    %add3A_1269 = arith.addi %add3A_1266, %all_reduce_population_count3A_1268 : vector<16xi32>
    %eq3A_1270 = arith.constant 12 : i32
    %eq3A_1271 = vector.broadcast %eq3A_1270 : i32 to vector<16xi32>
    %eq3A_1272 = arith.cmpi eq, %iota3A, %eq3A_1271 : vector<16xi32>
    %select_n3A_1273 = arith.select %eq3A_1272, %add3A_1269, %select_n3A_1234 : vector<16xi1>, vector<16xi32>
    %broadcast_in_dim3A_1274 = arith.constant 0 : i32
    %broadcast_in_dim3A_1275 = vector.broadcast %broadcast_in_dim3A_1274 : i32 to vector<16xi32>
    %mul3A_1276 = arith.constant 18 : i32
    %mul3A_1277 = arith.muli %select_n3A_746, %mul3A_1276 : i32
    %add3A_1278 = arith.addi %mul3A_1277, %mul3A_764 : i32
    %add3A_1279 = arith.constant 13 : i32
    %add3A_1280 = arith.addi %add3A_1278, %add3A_1279 : i32
    %add3A_1281 = vector.broadcast %add3A_1280 : i32 to vector<16xi32>
    %add3A_1282 = arith.addi %broadcast_in_dim3A_1275, %add3A_1281 : vector<16xi32>
    %broadcast_in_dim3A_1283 = arith.constant 0 : i32
    %broadcast_in_dim3A_1284 = vector.broadcast %broadcast_in_dim3A_1283 : i32 to vector<16xi32>
    %eq3A_1285 = arith.cmpi eq, %add3A_7, %add3A_1282 : vector<16xi32>
    %all_reduce_population_count3A_1286 = tpu.all_reduce %eq3A_1285 {dim = 0 : i64, kind = #tpu.reduction_kind<sum>} : vector<16xi1> -> vector<16xi32>
    %add3A_1287 = arith.addi %broadcast_in_dim3A_1284, %all_reduce_population_count3A_1286 : vector<16xi32>
    %eq3A_1288 = arith.cmpi eq, %add3A_15, %add3A_1282 : vector<16xi32>
    %all_reduce_population_count3A_1289 = tpu.all_reduce %eq3A_1288 {dim = 0 : i64, kind = #tpu.reduction_kind<sum>} : vector<16xi1> -> vector<16xi32>
    %add3A_1290 = arith.addi %add3A_1287, %all_reduce_population_count3A_1289 : vector<16xi32>
    %eq3A_1291 = arith.cmpi eq, %add3A_23, %add3A_1282 : vector<16xi32>
    %all_reduce_population_count3A_1292 = tpu.all_reduce %eq3A_1291 {dim = 0 : i64, kind = #tpu.reduction_kind<sum>} : vector<16xi1> -> vector<16xi32>
    %add3A_1293 = arith.addi %add3A_1290, %all_reduce_population_count3A_1292 : vector<16xi32>
    %eq3A_1294 = arith.cmpi eq, %add3A_31, %add3A_1282 : vector<16xi32>
    %all_reduce_population_count3A_1295 = tpu.all_reduce %eq3A_1294 {dim = 0 : i64, kind = #tpu.reduction_kind<sum>} : vector<16xi1> -> vector<16xi32>
    %add3A_1296 = arith.addi %add3A_1293, %all_reduce_population_count3A_1295 : vector<16xi32>
    %eq3A_1297 = arith.cmpi eq, %add3A_39, %add3A_1282 : vector<16xi32>
    %all_reduce_population_count3A_1298 = tpu.all_reduce %eq3A_1297 {dim = 0 : i64, kind = #tpu.reduction_kind<sum>} : vector<16xi1> -> vector<16xi32>
    %add3A_1299 = arith.addi %add3A_1296, %all_reduce_population_count3A_1298 : vector<16xi32>
    %eq3A_1300 = arith.cmpi eq, %add3A_47, %add3A_1282 : vector<16xi32>
    %all_reduce_population_count3A_1301 = tpu.all_reduce %eq3A_1300 {dim = 0 : i64, kind = #tpu.reduction_kind<sum>} : vector<16xi1> -> vector<16xi32>
    %add3A_1302 = arith.addi %add3A_1299, %all_reduce_population_count3A_1301 : vector<16xi32>
    %eq3A_1303 = arith.cmpi eq, %add3A_55, %add3A_1282 : vector<16xi32>
    %all_reduce_population_count3A_1304 = tpu.all_reduce %eq3A_1303 {dim = 0 : i64, kind = #tpu.reduction_kind<sum>} : vector<16xi1> -> vector<16xi32>
    %add3A_1305 = arith.addi %add3A_1302, %all_reduce_population_count3A_1304 : vector<16xi32>
    %eq3A_1306 = arith.cmpi eq, %add3A_63, %add3A_1282 : vector<16xi32>
    %all_reduce_population_count3A_1307 = tpu.all_reduce %eq3A_1306 {dim = 0 : i64, kind = #tpu.reduction_kind<sum>} : vector<16xi1> -> vector<16xi32>
    %add3A_1308 = arith.addi %add3A_1305, %all_reduce_population_count3A_1307 : vector<16xi32>
    %eq3A_1309 = arith.constant 13 : i32
    %eq3A_1310 = vector.broadcast %eq3A_1309 : i32 to vector<16xi32>
    %eq3A_1311 = arith.cmpi eq, %iota3A, %eq3A_1310 : vector<16xi32>
    %select_n3A_1312 = arith.select %eq3A_1311, %add3A_1308, %select_n3A_1273 : vector<16xi1>, vector<16xi32>
    %broadcast_in_dim3A_1313 = arith.constant 0 : i32
    %broadcast_in_dim3A_1314 = vector.broadcast %broadcast_in_dim3A_1313 : i32 to vector<16xi32>
    %mul3A_1315 = arith.constant 18 : i32
    %mul3A_1316 = arith.muli %select_n3A_746, %mul3A_1315 : i32
    %add3A_1317 = arith.addi %mul3A_1316, %mul3A_764 : i32
    %add3A_1318 = arith.constant 14 : i32
    %add3A_1319 = arith.addi %add3A_1317, %add3A_1318 : i32
    %add3A_1320 = vector.broadcast %add3A_1319 : i32 to vector<16xi32>
    %add3A_1321 = arith.addi %broadcast_in_dim3A_1314, %add3A_1320 : vector<16xi32>
    %broadcast_in_dim3A_1322 = arith.constant 0 : i32
    %broadcast_in_dim3A_1323 = vector.broadcast %broadcast_in_dim3A_1322 : i32 to vector<16xi32>
    %eq3A_1324 = arith.cmpi eq, %add3A_7, %add3A_1321 : vector<16xi32>
    %all_reduce_population_count3A_1325 = tpu.all_reduce %eq3A_1324 {dim = 0 : i64, kind = #tpu.reduction_kind<sum>} : vector<16xi1> -> vector<16xi32>
    %add3A_1326 = arith.addi %broadcast_in_dim3A_1323, %all_reduce_population_count3A_1325 : vector<16xi32>
    %eq3A_1327 = arith.cmpi eq, %add3A_15, %add3A_1321 : vector<16xi32>
    %all_reduce_population_count3A_1328 = tpu.all_reduce %eq3A_1327 {dim = 0 : i64, kind = #tpu.reduction_kind<sum>} : vector<16xi1> -> vector<16xi32>
    %add3A_1329 = arith.addi %add3A_1326, %all_reduce_population_count3A_1328 : vector<16xi32>
    %eq3A_1330 = arith.cmpi eq, %add3A_23, %add3A_1321 : vector<16xi32>
    %all_reduce_population_count3A_1331 = tpu.all_reduce %eq3A_1330 {dim = 0 : i64, kind = #tpu.reduction_kind<sum>} : vector<16xi1> -> vector<16xi32>
    %add3A_1332 = arith.addi %add3A_1329, %all_reduce_population_count3A_1331 : vector<16xi32>
    %eq3A_1333 = arith.cmpi eq, %add3A_31, %add3A_1321 : vector<16xi32>
    %all_reduce_population_count3A_1334 = tpu.all_reduce %eq3A_1333 {dim = 0 : i64, kind = #tpu.reduction_kind<sum>} : vector<16xi1> -> vector<16xi32>
    %add3A_1335 = arith.addi %add3A_1332, %all_reduce_population_count3A_1334 : vector<16xi32>
    %eq3A_1336 = arith.cmpi eq, %add3A_39, %add3A_1321 : vector<16xi32>
    %all_reduce_population_count3A_1337 = tpu.all_reduce %eq3A_1336 {dim = 0 : i64, kind = #tpu.reduction_kind<sum>} : vector<16xi1> -> vector<16xi32>
    %add3A_1338 = arith.addi %add3A_1335, %all_reduce_population_count3A_1337 : vector<16xi32>
    %eq3A_1339 = arith.cmpi eq, %add3A_47, %add3A_1321 : vector<16xi32>
    %all_reduce_population_count3A_1340 = tpu.all_reduce %eq3A_1339 {dim = 0 : i64, kind = #tpu.reduction_kind<sum>} : vector<16xi1> -> vector<16xi32>
    %add3A_1341 = arith.addi %add3A_1338, %all_reduce_population_count3A_1340 : vector<16xi32>
    %eq3A_1342 = arith.cmpi eq, %add3A_55, %add3A_1321 : vector<16xi32>
    %all_reduce_population_count3A_1343 = tpu.all_reduce %eq3A_1342 {dim = 0 : i64, kind = #tpu.reduction_kind<sum>} : vector<16xi1> -> vector<16xi32>
    %add3A_1344 = arith.addi %add3A_1341, %all_reduce_population_count3A_1343 : vector<16xi32>
    %eq3A_1345 = arith.cmpi eq, %add3A_63, %add3A_1321 : vector<16xi32>
    %all_reduce_population_count3A_1346 = tpu.all_reduce %eq3A_1345 {dim = 0 : i64, kind = #tpu.reduction_kind<sum>} : vector<16xi1> -> vector<16xi32>
    %add3A_1347 = arith.addi %add3A_1344, %all_reduce_population_count3A_1346 : vector<16xi32>
    %eq3A_1348 = arith.constant 14 : i32
    %eq3A_1349 = vector.broadcast %eq3A_1348 : i32 to vector<16xi32>
    %eq3A_1350 = arith.cmpi eq, %iota3A, %eq3A_1349 : vector<16xi32>
    %select_n3A_1351 = arith.select %eq3A_1350, %add3A_1347, %select_n3A_1312 : vector<16xi1>, vector<16xi32>
    %broadcast_in_dim3A_1352 = arith.constant 0 : i32
    %broadcast_in_dim3A_1353 = vector.broadcast %broadcast_in_dim3A_1352 : i32 to vector<16xi32>
    %mul3A_1354 = arith.constant 18 : i32
    %mul3A_1355 = arith.muli %select_n3A_746, %mul3A_1354 : i32
    %add3A_1356 = arith.addi %mul3A_1355, %mul3A_764 : i32
    %add3A_1357 = arith.constant 15 : i32
    %add3A_1358 = arith.addi %add3A_1356, %add3A_1357 : i32
    %add3A_1359 = vector.broadcast %add3A_1358 : i32 to vector<16xi32>
    %add3A_1360 = arith.addi %broadcast_in_dim3A_1353, %add3A_1359 : vector<16xi32>
    %broadcast_in_dim3A_1361 = arith.constant 0 : i32
    %broadcast_in_dim3A_1362 = vector.broadcast %broadcast_in_dim3A_1361 : i32 to vector<16xi32>
    %eq3A_1363 = arith.cmpi eq, %add3A_7, %add3A_1360 : vector<16xi32>
    %all_reduce_population_count3A_1364 = tpu.all_reduce %eq3A_1363 {dim = 0 : i64, kind = #tpu.reduction_kind<sum>} : vector<16xi1> -> vector<16xi32>
    %add3A_1365 = arith.addi %broadcast_in_dim3A_1362, %all_reduce_population_count3A_1364 : vector<16xi32>
    %eq3A_1366 = arith.cmpi eq, %add3A_15, %add3A_1360 : vector<16xi32>
    %all_reduce_population_count3A_1367 = tpu.all_reduce %eq3A_1366 {dim = 0 : i64, kind = #tpu.reduction_kind<sum>} : vector<16xi1> -> vector<16xi32>
    %add3A_1368 = arith.addi %add3A_1365, %all_reduce_population_count3A_1367 : vector<16xi32>
    %eq3A_1369 = arith.cmpi eq, %add3A_23, %add3A_1360 : vector<16xi32>
    %all_reduce_population_count3A_1370 = tpu.all_reduce %eq3A_1369 {dim = 0 : i64, kind = #tpu.reduction_kind<sum>} : vector<16xi1> -> vector<16xi32>
    %add3A_1371 = arith.addi %add3A_1368, %all_reduce_population_count3A_1370 : vector<16xi32>
    %eq3A_1372 = arith.cmpi eq, %add3A_31, %add3A_1360 : vector<16xi32>
    %all_reduce_population_count3A_1373 = tpu.all_reduce %eq3A_1372 {dim = 0 : i64, kind = #tpu.reduction_kind<sum>} : vector<16xi1> -> vector<16xi32>
    %add3A_1374 = arith.addi %add3A_1371, %all_reduce_population_count3A_1373 : vector<16xi32>
    %eq3A_1375 = arith.cmpi eq, %add3A_39, %add3A_1360 : vector<16xi32>
    %all_reduce_population_count3A_1376 = tpu.all_reduce %eq3A_1375 {dim = 0 : i64, kind = #tpu.reduction_kind<sum>} : vector<16xi1> -> vector<16xi32>
    %add3A_1377 = arith.addi %add3A_1374, %all_reduce_population_count3A_1376 : vector<16xi32>
    %eq3A_1378 = arith.cmpi eq, %add3A_47, %add3A_1360 : vector<16xi32>
    %all_reduce_population_count3A_1379 = tpu.all_reduce %eq3A_1378 {dim = 0 : i64, kind = #tpu.reduction_kind<sum>} : vector<16xi1> -> vector<16xi32>
    %add3A_1380 = arith.addi %add3A_1377, %all_reduce_population_count3A_1379 : vector<16xi32>
    %eq3A_1381 = arith.cmpi eq, %add3A_55, %add3A_1360 : vector<16xi32>
    %all_reduce_population_count3A_1382 = tpu.all_reduce %eq3A_1381 {dim = 0 : i64, kind = #tpu.reduction_kind<sum>} : vector<16xi1> -> vector<16xi32>
    %add3A_1383 = arith.addi %add3A_1380, %all_reduce_population_count3A_1382 : vector<16xi32>
    %eq3A_1384 = arith.cmpi eq, %add3A_63, %add3A_1360 : vector<16xi32>
    %all_reduce_population_count3A_1385 = tpu.all_reduce %eq3A_1384 {dim = 0 : i64, kind = #tpu.reduction_kind<sum>} : vector<16xi1> -> vector<16xi32>
    %add3A_1386 = arith.addi %add3A_1383, %all_reduce_population_count3A_1385 : vector<16xi32>
    %eq3A_1387 = arith.constant 15 : i32
    %eq3A_1388 = vector.broadcast %eq3A_1387 : i32 to vector<16xi32>
    %eq3A_1389 = arith.cmpi eq, %iota3A, %eq3A_1388 : vector<16xi32>
    %select_n3A_1390 = arith.select %eq3A_1389, %add3A_1386, %select_n3A_1351 : vector<16xi1>, vector<16xi32>
    %convert_element_type3A_1391 = arith.sitofp %select_n3A_1390 : vector<16xi32> to vector<16xf32>
    %swap3A_1392 = arith.constant 0 : index
    %swap3A_1393 = tpu.vector_load %arg6[%swap3A_1392] {strides = array<i32>} : memref<16xf32, #tpu.memory_space<vmem>>, vector<16xf32>,
    tpu.vector_store %arg6[%swap3A_1392], %convert_element_type3A_1391 {strides = array<i32>} : memref<16xf32, #tpu.memory_space<vmem>>, vector<16xf32>,
    "tpu.region"() ({
      %run_scoped3A = tpu.sem_alloc : memref<!tpu.dma_semaphore, #tpu.memory_space<semaphore_mem>>
      %dma_start3A = tpu.memref_slice %arg3[%select_n3A_746, %mul3A_764] : memref<32x32xf32, #tpu.memory_space<hbm>> -> memref<1x16xf32, #tpu.memory_space<hbm>>
      %dma_start3A_1394 = tpu.memref_squeeze %dma_start3A : memref<1x16xf32, #tpu.memory_space<hbm>> -> memref<16xf32, #tpu.memory_space<hbm>>
      %dma_start3A_1395 = tpu.memref_slice %arg3[%select_n3A_746, %mul3A_764] : memref<32x32xf32, #tpu.memory_space<hbm>> -> memref<1x16xf32, #tpu.memory_space<hbm>>
      %dma_start3A_1396 = tpu.memref_squeeze %dma_start3A_1395 : memref<1x16xf32, #tpu.memory_space<hbm>> -> memref<16xf32, #tpu.memory_space<hbm>>
      tpu.enqueue_dma source(%arg6 : memref<16xf32, #tpu.memory_space<vmem>>) target(%dma_start3A_1396 : memref<16xf32, #tpu.memory_space<hbm>>) target_semaphore(%run_scoped3A : memref<!tpu.dma_semaphore, #tpu.memory_space<semaphore_mem>>)
      %dma_wait3A = tpu.memref_slice %arg3[%select_n3A_746, %mul3A_764] : memref<32x32xf32, #tpu.memory_space<hbm>> -> memref<1x16xf32, #tpu.memory_space<hbm>>
      %dma_wait3A_1397 = tpu.memref_squeeze %dma_wait3A : memref<1x16xf32, #tpu.memory_space<hbm>> -> memref<16xf32, #tpu.memory_space<hbm>>
      %dma_wait3A_1398 = tpu.memref_slice %arg3[%select_n3A_746, %mul3A_764] : memref<32x32xf32, #tpu.memory_space<hbm>> -> memref<1x16xf32, #tpu.memory_space<hbm>>
      %dma_wait3A_1399 = tpu.memref_squeeze %dma_wait3A_1398 : memref<1x16xf32, #tpu.memory_space<hbm>> -> memref<16xf32, #tpu.memory_space<hbm>>
      tpu.wait_dma2 semaphore(%run_scoped3A : memref<!tpu.dma_semaphore, #tpu.memory_space<semaphore_mem>>) src(%arg6 : memref<16xf32, #tpu.memory_space<vmem>>) dst(%dma_wait3A_1399 : memref<16xf32, #tpu.memory_space<hbm>>)
      tpu.yield
    }) : () -> ()
    return
  }
}

module attributes {stable_mosaic.version = 14 : i64} {
  func.func @_gcn_kernel(%arg0: i32, %arg1: memref<32x32xf32, #tpu.memory_space<vmem>>, %arg2: memref<18x82xf32, #tpu.memory_space<vmem>>, %arg3: memref<18x256x82xf32, #tpu.memory_space<vmem>>, %arg4: memref<18x82x256xf32, #tpu.memory_space<vmem>>, %arg5: memref<18x256xf32, #tpu.memory_space<vmem>>, %arg6: memref<256x256xf32, #tpu.memory_space<vmem>>, %arg7: memref<1x256xf32, #tpu.memory_space<vmem>>, %arg8: memref<256x256xf32, #tpu.memory_space<vmem>>, %arg9: memref<1x256xf32, #tpu.memory_space<vmem>>, %arg10: memref<256x18x256xf32, #tpu.memory_space<vmem>>) attributes {dimension_semantics = [#tpu.dimension_semantics<arbitrary>], iteration_bounds = array<i64: 4>, scalar_prefetch = 0 : i64, scratch_operands = 0 : i64, tpu.core_type = #tpu.core_type<tc>, window_params = [{pipeline_mode = #tpu.pipeline_mode<synchronous>, transform_indices = @transform_0, window_bounds = array<i64: 32, 32>}, {pipeline_mode = #tpu.pipeline_mode<synchronous>, transform_indices = @transform_1, window_bounds = array<i64: 18, 82>}, {transform_indices = @transform_2, window_bounds = array<i64: 18, 256, 82>}, {pipeline_mode = #tpu.pipeline_mode<synchronous>, transform_indices = @transform_3, window_bounds = array<i64: 18, 82, 256>}, {pipeline_mode = #tpu.pipeline_mode<synchronous>, transform_indices = @transform_4, window_bounds = array<i64: 18, 256>}, {pipeline_mode = #tpu.pipeline_mode<synchronous>, transform_indices = @transform_5, window_bounds = array<i64: 256, 256>}, {pipeline_mode = #tpu.pipeline_mode<synchronous>, transform_indices = @transform_6, window_bounds = array<i64: 1, 256>}, {pipeline_mode = #tpu.pipeline_mode<synchronous>, transform_indices = @transform_7, window_bounds = array<i64: 256, 256>}, {pipeline_mode = #tpu.pipeline_mode<synchronous>, transform_indices = @transform_8, window_bounds = array<i64: 1, 256>}, {transform_indices = @transform_9, window_bounds = array<i64: 256, 18, 256>}]} {
    %iota3A = tpu.iota {dimensions = array<i32: 0>} : vector<18x18xi32>
    %iota3A_0 = tpu.iota {dimensions = array<i32: 1>} : vector<18x18xi32>
    %eq3A = arith.cmpi eq, %iota3A, %iota3A_0 : vector<18x18xi32>
    %convert_element_type3A = arith.extui %eq3A : vector<18x18xi1> to vector<18x18xi32>
    %convert_element_type3A_1 = arith.sitofp %convert_element_type3A : vector<18x18xi32> to vector<18x18xf32>
    %get3A = arith.constant 0 : index
    %get3A_2 = arith.constant 0 : index
    %get3A_3 = vector.load %arg1[%get3A, %get3A_2] : memref<32x32xf32, #tpu.memory_space<vmem>>, vector<32x32xf32>
    %slice3A = vector.extract_strided_slice %get3A_3 {offsets = [0, 0], sizes = [18, 18], strides = [1, 1]} : vector<32x32xf32> to vector<18x18xf32>
    %reduce_sum3A = arith.constant dense<0.000000e+00> : vector<18xf32>
    %reduce_sum3A_4 = vector.multi_reduction <add>, %slice3A, %reduce_sum3A [1] : vector<18x18xf32> to vector<18xf32>
    %broadcast_in_dim3A = vector.shape_cast %reduce_sum3A_4 : vector<18xf32> to vector<18x1xf32>
    %add3A = arith.constant 1.000000e+00 : f32
    %add3A_5 = vector.broadcast %add3A : f32 to vector<18x1xf32>
    %add3A_6 = arith.addf %broadcast_in_dim3A, %add3A_5 : vector<18x1xf32>
    %rsqrt3A = math.rsqrt %add3A_6 : vector<18x1xf32>
    %add3A_7 = arith.addf %slice3A, %convert_element_type3A_1 : vector<18x18xf32>
    %mul3A = vector.broadcast %rsqrt3A : vector<18x1xf32> to vector<18x18xf32>
    %mul3A_8 = arith.mulf %add3A_7, %mul3A : vector<18x18xf32>
    %transpose3A = tpu.transpose %rsqrt3A, [1, 0] : vector<18x1xf32> -> vector<1x18xf32>
    %mul3A_9 = vector.broadcast %transpose3A : vector<1x18xf32> to vector<18x18xf32>
    %mul3A_10 = arith.mulf %mul3A_8, %mul3A_9 : vector<18x18xf32>
    %get3A_11 = arith.constant 0 : index
    %get3A_12 = arith.constant 0 : index
    %get3A_13 = arith.constant 0 : index
    %get3A_14 = vector.load %arg3[%get3A_11, %get3A_12, %get3A_13] : memref<18x256x82xf32, #tpu.memory_space<vmem>>, vector<18x256x82xf32>
    %get3A_15 = arith.constant 0 : index
    %get3A_16 = arith.constant 0 : index
    %get3A_17 = vector.load %arg2[%get3A_15, %get3A_16] : memref<18x82xf32, #tpu.memory_space<vmem>>, vector<18x82xf32>
    %broadcast_in_dim3A_18 = vector.shape_cast %get3A_17 : vector<18x82xf32> to vector<18x1x82xf32>
    %mul3A_19 = vector.broadcast %broadcast_in_dim3A_18 : vector<18x1x82xf32> to vector<18x256x82xf32>
    %mul3A_20 = arith.mulf %get3A_14, %mul3A_19 : vector<18x256x82xf32>
    %get3A_21 = arith.constant 0 : index
    %get3A_22 = arith.constant 0 : index
    %get3A_23 = arith.constant 0 : index
    %get3A_24 = vector.load %arg4[%get3A_21, %get3A_22, %get3A_23] : memref<18x82x256xf32, #tpu.memory_space<vmem>>, vector<18x82x256xf32>
    %dot_general3A = arith.constant dense<0.000000e+00> : vector<18x256x256xf32>
    %dot_general3A_25 = tpu.matmul %mul3A_20, %get3A_24, %dot_general3A {dimension_numbers = #tpu.dot_dimension_numbers<[2], [1], [1], [2], [0, 0, 0, 1, 1, 2], [0], [0]>, transpose_lhs_hint = false} : vector<18x256x82xf32>, vector<18x82x256xf32>, vector<18x256x256xf32> -> vector<18x256x256xf32>
    %get3A_26 = arith.constant 0 : index
    %get3A_27 = arith.constant 0 : index
    %get3A_28 = vector.load %arg5[%get3A_26, %get3A_27] : memref<18x256xf32, #tpu.memory_space<vmem>>, vector<18x256xf32>
    %broadcast_in_dim3A_29 = vector.shape_cast %get3A_28 : vector<18x256xf32> to vector<18x1x256xf32>
    %add3A_30 = vector.broadcast %broadcast_in_dim3A_29 : vector<18x1x256xf32> to vector<18x256x256xf32>
    %add3A_31 = arith.addf %dot_general3A_25, %add3A_30 : vector<18x256x256xf32>
    %max3A = arith.constant 0.000000e+00 : f32
    %max3A_32 = vector.broadcast %max3A : f32 to vector<18x256x256xf32>
    %max3A_33 = arith.maximumf %add3A_31, %max3A_32 : vector<18x256x256xf32>
    %get3A_34 = arith.constant 0 : index
    %get3A_35 = arith.constant 0 : index
    %get3A_36 = vector.load %arg6[%get3A_34, %get3A_35] : memref<256x256xf32, #tpu.memory_space<vmem>>, vector<256x256xf32>
    %dot_general3A_37 = arith.constant dense<0.000000e+00> : vector<18x256x256xf32>
    %dot_general3A_38 = tpu.matmul %max3A_33, %get3A_36, %dot_general3A_37 {dimension_numbers = #tpu.dot_dimension_numbers<[2], [0], [0, 1], [1], [0, 0, 0, 1, 1, 1], [], []>, transpose_lhs_hint = false} : vector<18x256x256xf32>, vector<256x256xf32>, vector<18x256x256xf32> -> vector<18x256x256xf32>
    %dot_general3A_39 = arith.constant dense<0.000000e+00> : vector<18x256x256xf32>
    %dot_general3A_40 = tpu.matmul %mul3A_10, %dot_general3A_38, %dot_general3A_39 {dimension_numbers = #tpu.dot_dimension_numbers<[1], [0], [0], [1, 2], [0, 0, 1, 1, 1, 2], [], []>, transpose_lhs_hint = false} : vector<18x18xf32>, vector<18x256x256xf32>, vector<18x256x256xf32> -> vector<18x256x256xf32>
    %get3A_41 = arith.constant 0 : index
    %get3A_42 = arith.constant 0 : index
    %get3A_43 = vector.load %arg7[%get3A_41, %get3A_42] : memref<1x256xf32, #tpu.memory_space<vmem>>, vector<1x256xf32>
    %broadcast_in_dim3A_44 = vector.shape_cast %get3A_43 : vector<1x256xf32> to vector<1x1x256xf32>
    %add3A_45 = vector.broadcast %broadcast_in_dim3A_44 : vector<1x1x256xf32> to vector<18x256x256xf32>
    %add3A_46 = arith.addf %dot_general3A_40, %add3A_45 : vector<18x256x256xf32>
    %max3A_47 = arith.constant 0.000000e+00 : f32
    %max3A_48 = vector.broadcast %max3A_47 : f32 to vector<18x256x256xf32>
    %max3A_49 = arith.maximumf %add3A_46, %max3A_48 : vector<18x256x256xf32>
    %add3A_50 = arith.addf %max3A_49, %max3A_33 : vector<18x256x256xf32>
    %get3A_51 = arith.constant 0 : index
    %get3A_52 = arith.constant 0 : index
    %get3A_53 = vector.load %arg8[%get3A_51, %get3A_52] : memref<256x256xf32, #tpu.memory_space<vmem>>, vector<256x256xf32>
    %dot_general3A_54 = arith.constant dense<0.000000e+00> : vector<18x256x256xf32>
    %dot_general3A_55 = tpu.matmul %add3A_50, %get3A_53, %dot_general3A_54 {dimension_numbers = #tpu.dot_dimension_numbers<[2], [0], [0, 1], [1], [0, 0, 0, 1, 1, 1], [], []>, transpose_lhs_hint = false} : vector<18x256x256xf32>, vector<256x256xf32>, vector<18x256x256xf32> -> vector<18x256x256xf32>
    %dot_general3A_56 = arith.constant dense<0.000000e+00> : vector<18x256x256xf32>
    %dot_general3A_57 = tpu.matmul %mul3A_10, %dot_general3A_55, %dot_general3A_56 {dimension_numbers = #tpu.dot_dimension_numbers<[1], [0], [0], [1, 2], [0, 0, 1, 1, 1, 2], [], []>, transpose_lhs_hint = false} : vector<18x18xf32>, vector<18x256x256xf32>, vector<18x256x256xf32> -> vector<18x256x256xf32>
    %get3A_58 = arith.constant 0 : index
    %get3A_59 = arith.constant 0 : index
    %get3A_60 = vector.load %arg9[%get3A_58, %get3A_59] : memref<1x256xf32, #tpu.memory_space<vmem>>, vector<1x256xf32>
    %broadcast_in_dim3A_61 = vector.shape_cast %get3A_60 : vector<1x256xf32> to vector<1x1x256xf32>
    %add3A_62 = vector.broadcast %broadcast_in_dim3A_61 : vector<1x1x256xf32> to vector<18x256x256xf32>
    %add3A_63 = arith.addf %dot_general3A_57, %add3A_62 : vector<18x256x256xf32>
    %max3A_64 = arith.constant 0.000000e+00 : f32
    %max3A_65 = vector.broadcast %max3A_64 : f32 to vector<18x256x256xf32>
    %max3A_66 = arith.maximumf %add3A_63, %max3A_65 : vector<18x256x256xf32>
    %add3A_67 = arith.addf %max3A_66, %max3A_49 : vector<18x256x256xf32>
    %slice3A_68 = vector.extract_strided_slice %add3A_67 {offsets = [0, 0, 0], sizes = [1, 256, 256], strides = [1, 1, 1]} : vector<18x256x256xf32> to vector<1x256x256xf32>
    %squeeze3A = vector.shape_cast %slice3A_68 : vector<1x256x256xf32> to vector<256x256xf32>
    %swap3A = arith.constant 0 : index
    %swap3A_69 = arith.constant 0 : index
    %swap3A_70 = arith.constant 0 : index
    %swap3A_71 = vector.load %arg10[%swap3A, %swap3A_69, %swap3A_70] : memref<256x18x256xf32, #tpu.memory_space<vmem>>, vector<256x1x256xf32>
    %swap3A_72 = vector.shape_cast %swap3A_71 : vector<256x1x256xf32> to vector<256x256xf32>
    %swap3A_73 = vector.shape_cast %squeeze3A : vector<256x256xf32> to vector<256x1x256xf32>
    tpu.vector_store %arg10[%swap3A, %swap3A_69, %swap3A_70], %swap3A_73 {strides = array<i32>} : memref<256x18x256xf32, #tpu.memory_space<vmem>>, vector<256x1x256xf32>,
    %slice3A_74 = vector.extract_strided_slice %add3A_67 {offsets = [1, 0, 0], sizes = [1, 256, 256], strides = [1, 1, 1]} : vector<18x256x256xf32> to vector<1x256x256xf32>
    %squeeze3A_75 = vector.shape_cast %slice3A_74 : vector<1x256x256xf32> to vector<256x256xf32>
    %swap3A_76 = arith.constant 0 : index
    %swap3A_77 = arith.constant 1 : index
    %swap3A_78 = arith.constant 0 : index
    %swap3A_79 = vector.load %arg10[%swap3A_76, %swap3A_77, %swap3A_78] : memref<256x18x256xf32, #tpu.memory_space<vmem>>, vector<256x1x256xf32>
    %swap3A_80 = vector.shape_cast %swap3A_79 : vector<256x1x256xf32> to vector<256x256xf32>
    %swap3A_81 = vector.shape_cast %squeeze3A_75 : vector<256x256xf32> to vector<256x1x256xf32>
    tpu.vector_store %arg10[%swap3A_76, %swap3A_77, %swap3A_78], %swap3A_81 {strides = array<i32>} : memref<256x18x256xf32, #tpu.memory_space<vmem>>, vector<256x1x256xf32>,
    %slice3A_82 = vector.extract_strided_slice %add3A_67 {offsets = [2, 0, 0], sizes = [1, 256, 256], strides = [1, 1, 1]} : vector<18x256x256xf32> to vector<1x256x256xf32>
    %squeeze3A_83 = vector.shape_cast %slice3A_82 : vector<1x256x256xf32> to vector<256x256xf32>
    %swap3A_84 = arith.constant 0 : index
    %swap3A_85 = arith.constant 2 : index
    %swap3A_86 = arith.constant 0 : index
    %swap3A_87 = vector.load %arg10[%swap3A_84, %swap3A_85, %swap3A_86] : memref<256x18x256xf32, #tpu.memory_space<vmem>>, vector<256x1x256xf32>
    %swap3A_88 = vector.shape_cast %swap3A_87 : vector<256x1x256xf32> to vector<256x256xf32>
    %swap3A_89 = vector.shape_cast %squeeze3A_83 : vector<256x256xf32> to vector<256x1x256xf32>
    tpu.vector_store %arg10[%swap3A_84, %swap3A_85, %swap3A_86], %swap3A_89 {strides = array<i32>} : memref<256x18x256xf32, #tpu.memory_space<vmem>>, vector<256x1x256xf32>,
    %slice3A_90 = vector.extract_strided_slice %add3A_67 {offsets = [3, 0, 0], sizes = [1, 256, 256], strides = [1, 1, 1]} : vector<18x256x256xf32> to vector<1x256x256xf32>
    %squeeze3A_91 = vector.shape_cast %slice3A_90 : vector<1x256x256xf32> to vector<256x256xf32>
    %swap3A_92 = arith.constant 0 : index
    %swap3A_93 = arith.constant 3 : index
    %swap3A_94 = arith.constant 0 : index
    %swap3A_95 = vector.load %arg10[%swap3A_92, %swap3A_93, %swap3A_94] : memref<256x18x256xf32, #tpu.memory_space<vmem>>, vector<256x1x256xf32>
    %swap3A_96 = vector.shape_cast %swap3A_95 : vector<256x1x256xf32> to vector<256x256xf32>
    %swap3A_97 = vector.shape_cast %squeeze3A_91 : vector<256x256xf32> to vector<256x1x256xf32>
    tpu.vector_store %arg10[%swap3A_92, %swap3A_93, %swap3A_94], %swap3A_97 {strides = array<i32>} : memref<256x18x256xf32, #tpu.memory_space<vmem>>, vector<256x1x256xf32>,
    %slice3A_98 = vector.extract_strided_slice %add3A_67 {offsets = [4, 0, 0], sizes = [1, 256, 256], strides = [1, 1, 1]} : vector<18x256x256xf32> to vector<1x256x256xf32>
    %squeeze3A_99 = vector.shape_cast %slice3A_98 : vector<1x256x256xf32> to vector<256x256xf32>
    %swap3A_100 = arith.constant 0 : index
    %swap3A_101 = arith.constant 4 : index
    %swap3A_102 = arith.constant 0 : index
    %swap3A_103 = vector.load %arg10[%swap3A_100, %swap3A_101, %swap3A_102] : memref<256x18x256xf32, #tpu.memory_space<vmem>>, vector<256x1x256xf32>
    %swap3A_104 = vector.shape_cast %swap3A_103 : vector<256x1x256xf32> to vector<256x256xf32>
    %swap3A_105 = vector.shape_cast %squeeze3A_99 : vector<256x256xf32> to vector<256x1x256xf32>
    tpu.vector_store %arg10[%swap3A_100, %swap3A_101, %swap3A_102], %swap3A_105 {strides = array<i32>} : memref<256x18x256xf32, #tpu.memory_space<vmem>>, vector<256x1x256xf32>,
    %slice3A_106 = vector.extract_strided_slice %add3A_67 {offsets = [5, 0, 0], sizes = [1, 256, 256], strides = [1, 1, 1]} : vector<18x256x256xf32> to vector<1x256x256xf32>
    %squeeze3A_107 = vector.shape_cast %slice3A_106 : vector<1x256x256xf32> to vector<256x256xf32>
    %swap3A_108 = arith.constant 0 : index
    %swap3A_109 = arith.constant 5 : index
    %swap3A_110 = arith.constant 0 : index
    %swap3A_111 = vector.load %arg10[%swap3A_108, %swap3A_109, %swap3A_110] : memref<256x18x256xf32, #tpu.memory_space<vmem>>, vector<256x1x256xf32>
    %swap3A_112 = vector.shape_cast %swap3A_111 : vector<256x1x256xf32> to vector<256x256xf32>
    %swap3A_113 = vector.shape_cast %squeeze3A_107 : vector<256x256xf32> to vector<256x1x256xf32>
    tpu.vector_store %arg10[%swap3A_108, %swap3A_109, %swap3A_110], %swap3A_113 {strides = array<i32>} : memref<256x18x256xf32, #tpu.memory_space<vmem>>, vector<256x1x256xf32>,
    %slice3A_114 = vector.extract_strided_slice %add3A_67 {offsets = [6, 0, 0], sizes = [1, 256, 256], strides = [1, 1, 1]} : vector<18x256x256xf32> to vector<1x256x256xf32>
    %squeeze3A_115 = vector.shape_cast %slice3A_114 : vector<1x256x256xf32> to vector<256x256xf32>
    %swap3A_116 = arith.constant 0 : index
    %swap3A_117 = arith.constant 6 : index
    %swap3A_118 = arith.constant 0 : index
    %swap3A_119 = vector.load %arg10[%swap3A_116, %swap3A_117, %swap3A_118] : memref<256x18x256xf32, #tpu.memory_space<vmem>>, vector<256x1x256xf32>
    %swap3A_120 = vector.shape_cast %swap3A_119 : vector<256x1x256xf32> to vector<256x256xf32>
    %swap3A_121 = vector.shape_cast %squeeze3A_115 : vector<256x256xf32> to vector<256x1x256xf32>
    tpu.vector_store %arg10[%swap3A_116, %swap3A_117, %swap3A_118], %swap3A_121 {strides = array<i32>} : memref<256x18x256xf32, #tpu.memory_space<vmem>>, vector<256x1x256xf32>,
    %slice3A_122 = vector.extract_strided_slice %add3A_67 {offsets = [7, 0, 0], sizes = [1, 256, 256], strides = [1, 1, 1]} : vector<18x256x256xf32> to vector<1x256x256xf32>
    %squeeze3A_123 = vector.shape_cast %slice3A_122 : vector<1x256x256xf32> to vector<256x256xf32>
    %swap3A_124 = arith.constant 0 : index
    %swap3A_125 = arith.constant 7 : index
    %swap3A_126 = arith.constant 0 : index
    %swap3A_127 = vector.load %arg10[%swap3A_124, %swap3A_125, %swap3A_126] : memref<256x18x256xf32, #tpu.memory_space<vmem>>, vector<256x1x256xf32>
    %swap3A_128 = vector.shape_cast %swap3A_127 : vector<256x1x256xf32> to vector<256x256xf32>
    %swap3A_129 = vector.shape_cast %squeeze3A_123 : vector<256x256xf32> to vector<256x1x256xf32>
    tpu.vector_store %arg10[%swap3A_124, %swap3A_125, %swap3A_126], %swap3A_129 {strides = array<i32>} : memref<256x18x256xf32, #tpu.memory_space<vmem>>, vector<256x1x256xf32>,
    %slice3A_130 = vector.extract_strided_slice %add3A_67 {offsets = [8, 0, 0], sizes = [1, 256, 256], strides = [1, 1, 1]} : vector<18x256x256xf32> to vector<1x256x256xf32>
    %squeeze3A_131 = vector.shape_cast %slice3A_130 : vector<1x256x256xf32> to vector<256x256xf32>
    %swap3A_132 = arith.constant 0 : index
    %swap3A_133 = arith.constant 8 : index
    %swap3A_134 = arith.constant 0 : index
    %swap3A_135 = vector.load %arg10[%swap3A_132, %swap3A_133, %swap3A_134] : memref<256x18x256xf32, #tpu.memory_space<vmem>>, vector<256x1x256xf32>
    %swap3A_136 = vector.shape_cast %swap3A_135 : vector<256x1x256xf32> to vector<256x256xf32>
    %swap3A_137 = vector.shape_cast %squeeze3A_131 : vector<256x256xf32> to vector<256x1x256xf32>
    tpu.vector_store %arg10[%swap3A_132, %swap3A_133, %swap3A_134], %swap3A_137 {strides = array<i32>} : memref<256x18x256xf32, #tpu.memory_space<vmem>>, vector<256x1x256xf32>,
    %slice3A_138 = vector.extract_strided_slice %add3A_67 {offsets = [9, 0, 0], sizes = [1, 256, 256], strides = [1, 1, 1]} : vector<18x256x256xf32> to vector<1x256x256xf32>
    %squeeze3A_139 = vector.shape_cast %slice3A_138 : vector<1x256x256xf32> to vector<256x256xf32>
    %swap3A_140 = arith.constant 0 : index
    %swap3A_141 = arith.constant 9 : index
    %swap3A_142 = arith.constant 0 : index
    %swap3A_143 = vector.load %arg10[%swap3A_140, %swap3A_141, %swap3A_142] : memref<256x18x256xf32, #tpu.memory_space<vmem>>, vector<256x1x256xf32>
    %swap3A_144 = vector.shape_cast %swap3A_143 : vector<256x1x256xf32> to vector<256x256xf32>
    %swap3A_145 = vector.shape_cast %squeeze3A_139 : vector<256x256xf32> to vector<256x1x256xf32>
    tpu.vector_store %arg10[%swap3A_140, %swap3A_141, %swap3A_142], %swap3A_145 {strides = array<i32>} : memref<256x18x256xf32, #tpu.memory_space<vmem>>, vector<256x1x256xf32>,
    %slice3A_146 = vector.extract_strided_slice %add3A_67 {offsets = [10, 0, 0], sizes = [1, 256, 256], strides = [1, 1, 1]} : vector<18x256x256xf32> to vector<1x256x256xf32>
    %squeeze3A_147 = vector.shape_cast %slice3A_146 : vector<1x256x256xf32> to vector<256x256xf32>
    %swap3A_148 = arith.constant 0 : index
    %swap3A_149 = arith.constant 10 : index
    %swap3A_150 = arith.constant 0 : index
    %swap3A_151 = vector.load %arg10[%swap3A_148, %swap3A_149, %swap3A_150] : memref<256x18x256xf32, #tpu.memory_space<vmem>>, vector<256x1x256xf32>
    %swap3A_152 = vector.shape_cast %swap3A_151 : vector<256x1x256xf32> to vector<256x256xf32>
    %swap3A_153 = vector.shape_cast %squeeze3A_147 : vector<256x256xf32> to vector<256x1x256xf32>
    tpu.vector_store %arg10[%swap3A_148, %swap3A_149, %swap3A_150], %swap3A_153 {strides = array<i32>} : memref<256x18x256xf32, #tpu.memory_space<vmem>>, vector<256x1x256xf32>,
    %slice3A_154 = vector.extract_strided_slice %add3A_67 {offsets = [11, 0, 0], sizes = [1, 256, 256], strides = [1, 1, 1]} : vector<18x256x256xf32> to vector<1x256x256xf32>
    %squeeze3A_155 = vector.shape_cast %slice3A_154 : vector<1x256x256xf32> to vector<256x256xf32>
    %swap3A_156 = arith.constant 0 : index
    %swap3A_157 = arith.constant 11 : index
    %swap3A_158 = arith.constant 0 : index
    %swap3A_159 = vector.load %arg10[%swap3A_156, %swap3A_157, %swap3A_158] : memref<256x18x256xf32, #tpu.memory_space<vmem>>, vector<256x1x256xf32>
    %swap3A_160 = vector.shape_cast %swap3A_159 : vector<256x1x256xf32> to vector<256x256xf32>
    %swap3A_161 = vector.shape_cast %squeeze3A_155 : vector<256x256xf32> to vector<256x1x256xf32>
    tpu.vector_store %arg10[%swap3A_156, %swap3A_157, %swap3A_158], %swap3A_161 {strides = array<i32>} : memref<256x18x256xf32, #tpu.memory_space<vmem>>, vector<256x1x256xf32>,
    %slice3A_162 = vector.extract_strided_slice %add3A_67 {offsets = [12, 0, 0], sizes = [1, 256, 256], strides = [1, 1, 1]} : vector<18x256x256xf32> to vector<1x256x256xf32>
    %squeeze3A_163 = vector.shape_cast %slice3A_162 : vector<1x256x256xf32> to vector<256x256xf32>
    %swap3A_164 = arith.constant 0 : index
    %swap3A_165 = arith.constant 12 : index
    %swap3A_166 = arith.constant 0 : index
    %swap3A_167 = vector.load %arg10[%swap3A_164, %swap3A_165, %swap3A_166] : memref<256x18x256xf32, #tpu.memory_space<vmem>>, vector<256x1x256xf32>
    %swap3A_168 = vector.shape_cast %swap3A_167 : vector<256x1x256xf32> to vector<256x256xf32>
    %swap3A_169 = vector.shape_cast %squeeze3A_163 : vector<256x256xf32> to vector<256x1x256xf32>
    tpu.vector_store %arg10[%swap3A_164, %swap3A_165, %swap3A_166], %swap3A_169 {strides = array<i32>} : memref<256x18x256xf32, #tpu.memory_space<vmem>>, vector<256x1x256xf32>,
    %slice3A_170 = vector.extract_strided_slice %add3A_67 {offsets = [13, 0, 0], sizes = [1, 256, 256], strides = [1, 1, 1]} : vector<18x256x256xf32> to vector<1x256x256xf32>
    %squeeze3A_171 = vector.shape_cast %slice3A_170 : vector<1x256x256xf32> to vector<256x256xf32>
    %swap3A_172 = arith.constant 0 : index
    %swap3A_173 = arith.constant 13 : index
    %swap3A_174 = arith.constant 0 : index
    %swap3A_175 = vector.load %arg10[%swap3A_172, %swap3A_173, %swap3A_174] : memref<256x18x256xf32, #tpu.memory_space<vmem>>, vector<256x1x256xf32>
    %swap3A_176 = vector.shape_cast %swap3A_175 : vector<256x1x256xf32> to vector<256x256xf32>
    %swap3A_177 = vector.shape_cast %squeeze3A_171 : vector<256x256xf32> to vector<256x1x256xf32>
    tpu.vector_store %arg10[%swap3A_172, %swap3A_173, %swap3A_174], %swap3A_177 {strides = array<i32>} : memref<256x18x256xf32, #tpu.memory_space<vmem>>, vector<256x1x256xf32>,
    %slice3A_178 = vector.extract_strided_slice %add3A_67 {offsets = [14, 0, 0], sizes = [1, 256, 256], strides = [1, 1, 1]} : vector<18x256x256xf32> to vector<1x256x256xf32>
    %squeeze3A_179 = vector.shape_cast %slice3A_178 : vector<1x256x256xf32> to vector<256x256xf32>
    %swap3A_180 = arith.constant 0 : index
    %swap3A_181 = arith.constant 14 : index
    %swap3A_182 = arith.constant 0 : index
    %swap3A_183 = vector.load %arg10[%swap3A_180, %swap3A_181, %swap3A_182] : memref<256x18x256xf32, #tpu.memory_space<vmem>>, vector<256x1x256xf32>
    %swap3A_184 = vector.shape_cast %swap3A_183 : vector<256x1x256xf32> to vector<256x256xf32>
    %swap3A_185 = vector.shape_cast %squeeze3A_179 : vector<256x256xf32> to vector<256x1x256xf32>
    tpu.vector_store %arg10[%swap3A_180, %swap3A_181, %swap3A_182], %swap3A_185 {strides = array<i32>} : memref<256x18x256xf32, #tpu.memory_space<vmem>>, vector<256x1x256xf32>,
    %slice3A_186 = vector.extract_strided_slice %add3A_67 {offsets = [15, 0, 0], sizes = [1, 256, 256], strides = [1, 1, 1]} : vector<18x256x256xf32> to vector<1x256x256xf32>
    %squeeze3A_187 = vector.shape_cast %slice3A_186 : vector<1x256x256xf32> to vector<256x256xf32>
    %swap3A_188 = arith.constant 0 : index
    %swap3A_189 = arith.constant 15 : index
    %swap3A_190 = arith.constant 0 : index
    %swap3A_191 = vector.load %arg10[%swap3A_188, %swap3A_189, %swap3A_190] : memref<256x18x256xf32, #tpu.memory_space<vmem>>, vector<256x1x256xf32>
    %swap3A_192 = vector.shape_cast %swap3A_191 : vector<256x1x256xf32> to vector<256x256xf32>
    %swap3A_193 = vector.shape_cast %squeeze3A_187 : vector<256x256xf32> to vector<256x1x256xf32>
    tpu.vector_store %arg10[%swap3A_188, %swap3A_189, %swap3A_190], %swap3A_193 {strides = array<i32>} : memref<256x18x256xf32, #tpu.memory_space<vmem>>, vector<256x1x256xf32>,
    %slice3A_194 = vector.extract_strided_slice %add3A_67 {offsets = [16, 0, 0], sizes = [1, 256, 256], strides = [1, 1, 1]} : vector<18x256x256xf32> to vector<1x256x256xf32>
    %squeeze3A_195 = vector.shape_cast %slice3A_194 : vector<1x256x256xf32> to vector<256x256xf32>
    %swap3A_196 = arith.constant 0 : index
    %swap3A_197 = arith.constant 16 : index
    %swap3A_198 = arith.constant 0 : index
    %swap3A_199 = vector.load %arg10[%swap3A_196, %swap3A_197, %swap3A_198] : memref<256x18x256xf32, #tpu.memory_space<vmem>>, vector<256x1x256xf32>
    %swap3A_200 = vector.shape_cast %swap3A_199 : vector<256x1x256xf32> to vector<256x256xf32>
    %swap3A_201 = vector.shape_cast %squeeze3A_195 : vector<256x256xf32> to vector<256x1x256xf32>
    tpu.vector_store %arg10[%swap3A_196, %swap3A_197, %swap3A_198], %swap3A_201 {strides = array<i32>} : memref<256x18x256xf32, #tpu.memory_space<vmem>>, vector<256x1x256xf32>,
    %slice3A_202 = vector.extract_strided_slice %add3A_67 {offsets = [17, 0, 0], sizes = [1, 256, 256], strides = [1, 1, 1]} : vector<18x256x256xf32> to vector<1x256x256xf32>
    %squeeze3A_203 = vector.shape_cast %slice3A_202 : vector<1x256x256xf32> to vector<256x256xf32>
    %swap3A_204 = arith.constant 0 : index
    %swap3A_205 = arith.constant 17 : index
    %swap3A_206 = arith.constant 0 : index
    %swap3A_207 = vector.load %arg10[%swap3A_204, %swap3A_205, %swap3A_206] : memref<256x18x256xf32, #tpu.memory_space<vmem>>, vector<256x1x256xf32>
    %swap3A_208 = vector.shape_cast %swap3A_207 : vector<256x1x256xf32> to vector<256x256xf32>
    %swap3A_209 = vector.shape_cast %squeeze3A_203 : vector<256x256xf32> to vector<256x1x256xf32>
    tpu.vector_store %arg10[%swap3A_204, %swap3A_205, %swap3A_206], %swap3A_209 {strides = array<i32>} : memref<256x18x256xf32, #tpu.memory_space<vmem>>, vector<256x1x256xf32>,
    return
  }
  func.func @transform_0(%arg0: i32) -> (i32, i32) {
    %c0_i32 = arith.constant 0 : i32
    %c0_i32_0 = arith.constant 0 : i32
    %c0_i32_1 = arith.constant 0 : i32
    return %c0_i32, %c0_i32_0 : i32, i32
  }
  func.func @transform_1(%arg0: i32) -> (i32, i32) {
    %c0_i32 = arith.constant 0 : i32
    %c0_i32_0 = arith.constant 0 : i32
    %c0_i32_1 = arith.constant 0 : i32
    return %c0_i32, %c0_i32_0 : i32, i32
  }
  func.func @transform_2(%arg0: i32) -> (i32, i32, i32) {
    %c0_i32 = arith.constant 0 : i32
    %c0_i32_0 = arith.constant 0 : i32
    %c0_i32_1 = arith.constant 0 : i32
    return %c0_i32, %arg0, %c0_i32_0 : i32, i32, i32
  }
  func.func @transform_3(%arg0: i32) -> (i32, i32, i32) {
    %c0_i32 = arith.constant 0 : i32
    %c0_i32_0 = arith.constant 0 : i32
    %c0_i32_1 = arith.constant 0 : i32
    %c0_i32_2 = arith.constant 0 : i32
    return %c0_i32, %c0_i32_0, %c0_i32_1 : i32, i32, i32
  }
  func.func @transform_4(%arg0: i32) -> (i32, i32) {
    %c0_i32 = arith.constant 0 : i32
    %c0_i32_0 = arith.constant 0 : i32
    %c0_i32_1 = arith.constant 0 : i32
    return %c0_i32, %c0_i32_0 : i32, i32
  }
  func.func @transform_5(%arg0: i32) -> (i32, i32) {
    %c0_i32 = arith.constant 0 : i32
    %c0_i32_0 = arith.constant 0 : i32
    %c0_i32_1 = arith.constant 0 : i32
    return %c0_i32, %c0_i32_0 : i32, i32
  }
  func.func @transform_6(%arg0: i32) -> (i32, i32) {
    %c0_i32 = arith.constant 0 : i32
    %c0_i32_0 = arith.constant 0 : i32
    %c0_i32_1 = arith.constant 0 : i32
    return %c0_i32, %c0_i32_0 : i32, i32
  }
  func.func @transform_7(%arg0: i32) -> (i32, i32) {
    %c0_i32 = arith.constant 0 : i32
    %c0_i32_0 = arith.constant 0 : i32
    %c0_i32_1 = arith.constant 0 : i32
    return %c0_i32, %c0_i32_0 : i32, i32
  }
  func.func @transform_8(%arg0: i32) -> (i32, i32) {
    %c0_i32 = arith.constant 0 : i32
    %c0_i32_0 = arith.constant 0 : i32
    %c0_i32_1 = arith.constant 0 : i32
    return %c0_i32, %c0_i32_0 : i32, i32
  }
  func.func @transform_9(%arg0: i32) -> (i32, i32, i32) {
    %c0_i32 = arith.constant 0 : i32
    %c0_i32_0 = arith.constant 0 : i32
    %c0_i32_1 = arith.constant 0 : i32
    return %arg0, %c0_i32, %c0_i32_0 : i32, i32, i32
  }
}

</mosaic_0001>

<sc_bundles>
// kernel: kernel.4.cloned.1.call-start
scs
__scs_entry_jumppad:
0x0: {  	(pc) =	sbr.rel $0x88, $3  }
0x1: {  	(tag) =	ssettag $0x0;
	lr =	simm.s32 $0x1  }
0x2: {  	[smem:$0x3F99] =	sst lr;
	_ =	strace $0xD0000000  }
0x3: {  	_ = 	snop  }
0x4: {  	_ = 	snop  }
0x5: {  	_ = 	snop  }
0x6: {  	_ = 	snop  }
0x7: {  	_ = 	snop  }
__scs_overlays_trampoline_lowered:
0x8: {  	[smem:$0x3FA8] =	sst s0  }
0x9: {  	[smem:$0x3FA9] =	sst s1  }
0xa: {  	[smem:$0x3FAA] =	sst s2  }
0xb: {  	[smem:$0x3FAB] =	sst s3  }
0xc: {  	[smem:$0x3FAC] =	sst s4  }
0xd: {  	[smem:$0x3FAD] =	sst s5  }
0xe: {  	[smem:$0x3FAE] =	sst s6  }
0xf: {  	[smem:$0x3FAF] =	sst s7  }
0x10: {  	[smem:$0x3FB0] =	sst s8  }
0x11: {  	[smem:$0x3FB1] =	sst s9;
	s0 =	simm.s32 @!p0 $0x0  }
0x12: {  	s1 =	sld [smem:$0x3F97];
	s0 =	simm.s32 @p0 $0x1  }
0x13: {  	[smem:$0x3FB2] =	sst s0;
	s0 =	simm.s32 @!p1 $0x0  }
0x14: {  	s2 =	sld [smem:$0x3F96];
	s0 =	simm.s32 @p1 $0x1  }
0x15: {  	[smem:$0x3FB3] =	sst s0;
	s0 =	simm.s32 @!p2 $0x0  }
0x16: {  	s3 =	sld [smem:$0x3FDB];
	s0 =	simm.s32 @p2 $0x1  }
0x17: {  	s4 =	simm.s32 $0x1BF5;
	[smem:$0x3FB5] =	sst s0  }
0x18: {  	s0 =	sld [smem:$0x3F98];
	_ =	swait.ge [sflag:s4], $0x0  }
0x19: {  	s7 =	sld [smem:$0x3F99]  }
0x1a: {  	s8 =	sadd.s32 $0xFFFFE003, lr  }
0x1b: {  	s9 =	sadd.s32 $0xFFFFFEF7, lr;
	s5 =	simm.s32 $0xFFFFFFFF;
	p2 =	slt.u32 s8, $0xFFFFF086  }
0x1c: {  	p1 =	slt.u32 s9, $0xF7A;
	s5 =	simm.s32 @!p2 $0x0  }
0x1d: {  	s5 =	simm.s32 @p1 $0x1;
	p0 =	seq.s32 s7, s2  }
0x1e: {  	s7 =	smul.u32 @!p0 $0xF7A, s2;
	p2 =	seq.s32 @!p0 s5, $0x0  }
0x1f: {  	s9 =	smul.u32 $0xF7A, s1;
	s8 =	simm.s32 @!p0 $0x1BF5;
	p2 =	por !p2, p0  }
0x20: {  	[sflag:s8] =	ssyncset.s32 @!p0 $0xFFFFF086;
	s6 =	sadd.s32 @!p0 s3, s7;
	s7 =	simm.s32 @!p0 $0x108  }
0x21: {  	s3 =	sadd.s32 s3, s9;
	s6 =	sadd.s32 @!p0 $0x88, s6;
	s7 =	simm.s32 @p2 $0x1082  }
0x22: {  	[simem:s7], [sflag:s8] =	dma.local @!p0 [hbm:s6], $0xF7A  }
0x23: {  	s9 =	sor.u32 $0xD0000000, s2;
	s6 =	simm.s32 $0x108;
	_ =	swait.ge @!p0 [sflag:s8], $0x0  }
0x24: {  	s3 =	sadd.s32 $0x88, s3;
	s6 =	simm.s32 @!p1 $0x1082;
	[sflag:s4] =	ssyncset.s32 $0xFFFFF086  }
0x25: {  	[simem:s6], [sflag:s4] =	dma.local [hbm:s3], $0xF7A  }
0x26: {  	[smem:$0x3F99] =	sst s1;
	(tag) =	ssettag s2;
	_ =	strace s9  }
0x27: {  	s1 =	sld [smem:$0x3FA9]  }
0x28: {  	s2 =	sld [smem:$0x3FAA]  }
0x29: {  	s4 =	sld [smem:$0x3FAC]  }
0x2a: {  	p0 =	seq.s32 s5, $0x0;
	s5 =	sld [smem:$0x3FAD]  }
0x2b: {  	s6 =	sld [smem:$0x3FAE]  }
0x2c: {  	s7 =	sld [smem:$0x3FAF]  }
0x2d: {  	s3 =	simm.s32 $0x108;
	s8 =	sld [smem:$0x3FB0]  }
0x2e: {  	s3 =	simm.s32 @!p0 $0x1082;
	s9 =	sld [smem:$0x3FB1]  }
0x2f: {  	lr =	sadd.s32 s0, s3;
	s0 =	sld [smem:$0x3FA8]  }
0x30: {  	s3 =	sld [smem:$0x3FAB]  }
0x31: {  	[smem:$0x3FB4] =	sst s10  }
0x32: {  	s10 =	sld [smem:$0x3FB2];
	_ =	sdelay $0x3  }
0x33: {  	p0 =	seq.s32 s10, $0x1;
	s10 =	sld [smem:$0x3FB4];
	_ =	sdelay $0x3  }
0x34: {  	[smem:$0x3FB4] =	sst s10  }
0x35: {  	s10 =	sld [smem:$0x3FB3];
	_ =	sdelay $0x3  }
0x36: {  	p1 =	seq.s32 s10, $0x1;
	s10 =	sld [smem:$0x3FB4];
	_ =	sdelay $0x3  }
0x37: {  	[smem:$0x3FB4] =	sst s10  }
0x38: {  	s10 =	sld [smem:$0x3FB5]  }
0x39: {  	_ = 	snop;
	(pc) =	sbr.ind lr, $3  }
0x3a: {  	_ = 	snop  }
0x3b: {  	_ = 	snop  }
0x3c: {  	p2 =	seq.s32 s10, $0x1;
	s10 =	sld [smem:$0x3FB4]  }
0x3d: {  	_ =	shalt  }
0x3e: {  	_ =	shalt  }
0x3f: {  	_ =	shalt  }
0x40: {  	_ =	shalt  }
0x41: {  	_ =	shalt  }
0x42: {  	_ =	shalt  }
0x43: {  	_ =	shalt  }
0x44: {  	_ =	shalt  }
0x45: {  	_ =	shalt  }
0x46: {  	_ =	shalt  }
0x47: {  	_ =	shalt  }
0x48: {  	_ =	shalt  }
0x49: {  	_ =	shalt  }
0x4a: {  	_ =	shalt  }
0x4b: {  	_ =	shalt  }
0x4c: {  	_ =	shalt  }
0x4d: {  	_ =	shalt  }
0x4e: {  	_ =	shalt  }
0x4f: {  	_ =	shalt  }
0x50: {  	_ =	shalt  }
0x51: {  	_ =	shalt  }
0x52: {  	_ =	shalt  }
0x53: {  	_ =	shalt  }
0x54: {  	_ =	shalt  }
0x55: {  	_ =	shalt  }
0x56: {  	_ =	shalt  }
0x57: {  	_ =	shalt  }
0x58: {  	_ =	shalt  }
0x59: {  	_ =	shalt  }
0x5a: {  	_ =	shalt  }
0x5b: {  	_ =	shalt  }
0x5c: {  	_ =	shalt  }
0x5d: {  	_ =	shalt  }
0x5e: {  	_ =	shalt  }
0x5f: {  	_ =	shalt  }
0x60: {  	_ =	shalt  }
0x61: {  	_ =	shalt  }
0x62: {  	_ =	shalt  }
0x63: {  	_ =	shalt  }
0x64: {  	_ =	shalt  }
0x65: {  	_ =	shalt  }
0x66: {  	_ =	shalt  }
0x67: {  	_ =	shalt  }
0x68: {  	_ =	shalt  }
0x69: {  	_ =	shalt  }
0x6a: {  	_ =	shalt  }
0x6b: {  	_ =	shalt  }
0x6c: {  	_ =	shalt  }
0x6d: {  	_ =	shalt  }
0x6e: {  	_ =	shalt  }
0x6f: {  	_ =	shalt  }
0x70: {  	_ =	shalt  }
0x71: {  	_ =	shalt  }
0x72: {  	_ =	shalt  }
0x73: {  	_ =	shalt  }
0x74: {  	_ =	shalt  }
0x75: {  	_ =	shalt  }
0x76: {  	_ =	shalt  }
0x77: {  	_ =	shalt  }
0x78: {  	_ =	shalt  }
0x79: {  	_ =	shalt  }
0x7a: {  	_ =	shalt  }
0x7b: {  	_ =	shalt  }
0x7c: {  	_ =	shalt  }
0x7d: {  	_ =	shalt  }
0x7e: {  	_ =	shalt  }
0x7f: {  	_ =	shalt  }
0x80: {  	_ =	shalt  }
0x81: {  	_ =	shalt  }
0x82: {  	_ =	shalt  }
0x83: {  	_ =	shalt  }
0x84: {  	_ =	shalt  }
0x85: {  	_ =	shalt  }
0x86: {  	_ =	shalt  }
0x87: {  	_ =	shalt  }
.Lfunc_end0:
.L_simem_size_0:
called_computation_lowered:
.L_overlay_start_0:
0x88: {  	s2 =	sld [smem:$0x3FD9]  }
0x89: {  	s3 =	sld [smem:$0x3FFE];
	_ =	sdelay $0x1  }
0x8a: {  	s1 =	srdreg.scid  }
0x8b: {  	s0 =	sand.u32 $0x1, s1  }
0x8c: {  	s18 =	sshll.u32 s0, $0xA;
	s2 =	sadd.s32 s3, s2  }
0x8d: {  	s2 =	sadd.s32 s2, s18  }
0x8e: {  	[smem:$0x3FC0] =	sst s2  }
0x8f: {  	_ = 	snop  }
0x90: {  	s2 =	sld [smem:$0x3FC8]  }
0x91: {  	s19 =	sld [smem:$0x3FD0];
	(tm) =	ssettm $0x1  }
0x92: {  	s4 =	sld [smem:$0x3FFB];
	_ =	sdelay $0x3  }
0x93: {  	_ =	strace s4  }
0x94: {  	s4 =	sld [smem:$0x3FFC];
	_ =	sdelay $0x3  }
0x95: {  	_ =	strace s4  }
0x96: {  	s4 =	sld [smem:$0x3FFD];
	_ =	sdelay $0x3  }
0x97: {  	_ =	strace s4  }
0x98: {  	_ =	strace $0x8FFFFFFF  }
0x99: {  	s20 =	sld [smem:$0x3FDB];
	_ =	sdelay $0x1  }
0x9a: {  	s5 =	simm.s32 $_scs_section_size  }
0x9b: {  	s6 =	simm.s32 $_size__tile_overlayer_lowered;
	s7 =	simm.s32 $_tile_overlayer_lowered  }
0x9c: {  	s23 =	simm.s32 $0x1BFF;
	s22 =	sshll.u32 s7, $0x1;
	s4 =	sadd.s32 s5, s20  }
0x9d: {  	s8 =	simm.s32 $0x0;
	s21 =	sshll.u32 s6, $0x1;
	s6 =	sadd.s32 s22, s4  }
0x9e: {  	[timem:s8], [sflag:s23] =	dma.local [hbm:s6], s21  }
0x9f: {  	_ =	swait.ge [sflag:s23], s21  }
0xa0: {  	s5 =	ssub.s32 $0x0, s21;
	[sflag:s23] =	ssyncset.done $0x0  }
0xa1: {  	[sflag:s23] =	ssyncadd.s32 s5;
	_ =	sdelay $0x1  }
0xa2: {  	s24 =	simm.s32 $0x1B8B  }
0xa3: {  	_ =	swait.ge [sflag:s24], $0x1  }
0xa4: {  	[sflag:s24] =	ssyncset.done $0x0  }
0xa5: {  	s25 =	simm.s32 $0x1B8E;
	[sflag:s24] =	ssyncadd.s32 $0xFFFFFFFF  }
0xa6: {  	s26 =	simm.s32 $execute0_lowered;
	[smem:$0x3FD2] =	sst s25  }
0xa7: {  	s5 =	sshll.u32 s26, $0x1;
	_ =	strace $0x80000046;
	[dreg:$0x1] =	wrdreg $0xFFFFFFFF  }
0xa8: {  	s28 =	simm.s32 $_size_execute0_lowered;
	s4 =	sadd.s32 s4, s5;
	[dreg:$0x0] =	wrdreg $0x0  }
0xa9: {  	s5 =	sshll.u32 s28, $0x1;
	[dreg:$0x2] =	wrdreg s4  }
0xaa: {  	[dreg:$0x3] =	wrdreg s5  }
0xab: {  	[dreg:$0x4] =	wrdreg $0xC0  }
0xac: {  	_ =	task [dreg:s8], $0x5FFFF  }
0xad: {  	[dreg:$0x1] =	wrdreg $0xFFFFFFFF  }
0xae: {  	[dreg:$0x0] =	wrdreg $0x60  }
0xaf: {  	[dreg:$0x2] =	wrdreg s2  }
0xb0: {  	[dreg:$0x3] =	wrdreg s19  }
0xb1: {  	[dreg:$0x4] =	wrdreg $0x9  }
0xb2: {  	_ =	task.clear_ibuf [dreg:s8], $0x5FFFF;
	_ =	strace $0x90000046  }
0xb3: {  	s29 =	simm.s32 $0x9;
	_ =	strace $0x80000048  }
0xb4: {  	_ =	swait.ge [sflag:s29], $0x1  }
0xb5: {  	[sflag:s29] =	ssyncadd.s32 $0xFFFFFFFF  }
0xb6: {  	_ =	strace $0x90000048  }
0xb7: {  	_ =	sfence  }
0xb8: {  	s30 =	sld [smem:$0x0];
	_ =	sdelay $0x2  }
0xb9: {  	s31 =	sshll.u32 s1, $0xD;
	s1 =	sshrl.u32 s1, $0x2  }
0xba: {  	s3 =	sand.u32 $0x4000, s31;
	s1 =	sadd.s32 s1, s30  }
0xbb: {  	s0 =	sor.u32 s3, s0;
	s1 =	sshll.u32 s1, $0x11  }
0xbc: {  	s0 =	sor.u32 s1, s0  }
0xbd: {  	s0 =	sadd.s32 $0x8F2B, s0  }
0xbe: {  	[sflag:s0] =	ssyncadd.remote.s32 $0x1  }
0xbf: {  	_ =	sfence.sel $0xFFFF  }
0xc0: {  	[dreg:$0x0] =	wrdreg $0xFFFFFFFF;
	(pc) =	sbr.abs _section_cstart, $3  }
0xc1: {  	[dreg:$0x1] =	wrdreg $0xFFFFFFFF  }
0xc2: {  	_ =	task.clear_ibuf [dreg:s8], $0x2FFFF;
	_ =	strace $0x9FFFFFFF  }
0xc3: {  	(tm) =	ssettm $0x7FFFFFFF  }
tec
execute0_lowered:
.L_overlay_start_1:
0x0: {  	(tag) =	ssettag $0x1  }
0x1: {  	s1 =	srdreg.scid;
	s2 =	rddreg [dreg:$0x0]  }
0x2: {  	s0 =	stileid.u32;
	s6 =	rddreg [dreg:$0x1];
	s5 =	sand.u32 $0x1, s1  }
0x3: {  	s3 =	simm.s32 $0x0;
	s13 =	sor.u32 $0x10, s0;
	s1 =	sor.u32 s5, s0  }
0x4: {  	p1 =	seq.s32 s5, $0x1;
	s22 =	smul.u32 $0x12, s13;
	p0 =	seq.s32 s1, $0x0  }
0x5: {  	[smem:$0x7FF] =	sst s3;
	s4 =	sshll.u32 s5, $0x4;
	p0 =	por !p0, !p1  }
0x6: {  	s1 =	simm.s32 $0x1;
	s29 =	sadd.s32 s4, s22;
	p0 =	por !p0, !p0  }
0x7: {  	s5 =	ssub.s32 $0x2, s5;
	s31 =	sor.u32 $0x1, s29;
	s1 =	simm.s32 @!p0 $0x0  }
0x8: {  	vm0 =	vmmov $0x1;
	s14 =	sadd.s32 $0x5, s29;
	s15 =	sadd.s32 $0x6, s29;
	s7 =	ssub.s32 s0, s1  }
0x9: {  	v32 =	vimm.s32 $0x0;
	vm1 =	vmmov $0x3;
	vm2 =	vmmov $0x7;
	s16 =	sadd.s32 $0x7, s29;
	s17 =	sadd.s32 $0x8, s29;
	s8 =	smul.u32 $0x12, s7  }
0xa: {  	vm3 =	vmmov $0xf;
	vm4 =	vmmov $0x1f;
	vm5 =	vmmov $0x3f;
	s22 =	sadd.s32 $0xD, s29;
	s1 =	rddreg [dreg:$0x2];
	s7 =	sshll.u32 s7, $0x7  }
0xb: {  	vm6 =	vmmov $0x7f;
	vm7 =	vmmov $0xff;
	vm8 =	vmmov $0x1ff;
	_ =	strace $0x80000047;
	s7 =	sor.u32 s4, s7;
	s8 =	sadd.s32 s4, s8  }
0xc: {  	vm9 =	vmmov $0x3ff;
	vm10 =	vmmov $0x7ff;
	vm11 =	vmmov $0xfff;
	s9 =	sor.u32 $0x1, s8;
	s10 =	sadd.s32 $0x2, s8;
	s11 =	sadd.s32 $0x3, s8  }
0xd: {  	vm12 =	vmmov $0x1fff;
	vm13 =	vmmov $0x3fff;
	vm14 =	vmmov $0x7fff;
	s12 =	sadd.s32 $0x4, s8;
	s18 =	sadd.s32 $0x5, s8;
	s19 =	sadd.s32 $0x6, s8  }
0xe: {  	v32 =	vsel vm0, $0xFFFFFFFF, v32;
	v26 =	vmov s29;
	v16 =	vmov s31;
	s20 =	sadd.s32 $0x7, s8;
	s21 =	sadd.s32 $0x8, s8;
	s23 =	sadd.s32 $0x9, s8  }
0xf: {  	v20 =	vmov s14;
	v21 =	vmov s15;
	v22 =	vmov s16;
	s24 =	sadd.s32 $0xA, s8;
	s25 =	sadd.s32 $0xB, s8;
	s26 =	sadd.s32 $0xC, s8  }
0x10: {  	v23 =	vmov s17;
	v29 =	vmov s22;
	s28 =	sadd.s32 $0xD, s8;
	v11 =	vmov s8;
	s30 =	sadd.s32 $0xE, s8;
	s8 =	sadd.s32 $0xF, s8  }
0x11: {  	v0 =	vmov s9;
	v1 =	vmov s10;
	v3 =	vmov s12;
	s9 =	sadd.s32 $0x2, s29;
	s10 =	sadd.s32 $0x3, s29;
	s12 =	sadd.s32 $0x4, s29  }
0x12: {  	v4 =	vmov s18;
	v5 =	vmov s19;
	v6 =	vmov s20;
	s18 =	sadd.s32 $0x9, s29;
	s19 =	sadd.s32 $0xA, s29;
	s20 =	sadd.s32 $0xB, s29  }
0x13: {  	v7 =	vmov s21;
	v10 =	vmov s25;
	v12 =	vmov s26;
	s21 =	sadd.s32 $0xC, s29;
	s25 =	sshll.u32 s13, $0x7;
	s26 =	sshll.u32 s0, $0x7  }
0x14: {  	v8 =	vmov s23;
	v15 =	vmov s8;
	s23 =	sadd.s32 $0xE, s29;
	v17 =	vmov s9;
	s8 =	sand.u32 $0xC00, s25;
	s9 =	sand.u32 $0x380, s26  }
0x15: {  	v2 =	vmov s11;
	v9 =	vmov s24;
	v13 =	vmov s28;
	s24 =	sadd.s32 $0xF, s29;
	s28 =	sshrl.u32 s5, $0x1;
	s8 =	sor.u32 s8, s9  }
0x16: {  	v14 =	vmov s30;
	s30 =	sshrl.u32 s7, $0x3;
	v18 =	vmov s10;
	v19 =	vmov s12;
	s29 =	ssub.s32 s5, s28;
	s31 =	sor.u32 s4, s8  }
0x17: {  	v24 =	vmov s18;
	v25 =	vmov s19;
	v27 =	vmov s20;
	s5 =	sadd.s32 s6, s30;
	s4 =	simm.s32 $0x1;
	s7 =	sshrl.u32 s31, $0x3  }
0x18: {  	[tilespmem:$0x1FFF0] =	vst v32;
	v28 =	vmov s21;
	v30 =	vmov s23;
	v31 =	vmov s24;
	s8 =	simm.s32 $0x100;
	s6 =	sadd.s32 s6, s7;
	s7 =	smax.u32 s29, $0x1  }
.LBB2_1:
0x19: {  	[tilespmem:s3], [sflag:$0x1] =	stream.linear.gather [hbm4b:s2+s3], $0x100, $0x38;
	[tilespmem:$0x180] =	vst v63  }
0x1a: {  	_ =	swait.ge [sflag:s4], $0x100  }
0x1b: {  	[sflag:s4] =	ssyncset.done $0x0  }
0x1c: {  	[sflag:s4] =	ssyncadd.s32 $0xFFFFFF00  }
0x1d: {  	v32 =	vld [tilespmem:$0x80]  }
0x1e: {  	v33 =	vld [tilespmem:$0x0]  }
0x1f: {  	v34 =	vld [tilespmem:$0x90]  }
0x20: {  	v35 =	vld [tilespmem:$0x10]  }
0x21: {  	v38 =	vld [tilespmem:$0xA0]  }
0x22: {  	v39 =	vld [tilespmem:$0x20]  }
0x23: {  	v40 =	vld [tilespmem:$0xB0]  }
0x24: {  	v41 =	vld [tilespmem:$0x30]  }
0x25: {  	v42 =	vld [tilespmem:$0xC0]  }
0x26: {  	v43 =	vld [tilespmem:$0x40]  }
0x27: {  	v44 =	vld [tilespmem:$0xD0]  }
0x28: {  	v46 =	vld [tilespmem:$0xE0]  }
0x29: {  	v47 =	vld [tilespmem:$0xF0]  }
0x2a: {  	v45 =	vld [tilespmem:$0x50]  }
0x2b: {  	v48 =	vld [tilespmem:$0x60];
	v32 =	vmul.u32 $0x12, v32  }
0x2c: {  	v50 =	vld [tilespmem:$0x70];
	v34 =	vmul.u32 $0x12, v34;
	v51 =	vmul.u32 $0x12, v38;
	v52 =	vmul.u32 $0x12, v40  }
0x2d: {  	v53 =	vmul.u32 $0x12, v42;
	v54 =	vmul.u32 $0x12, v44;
	v55 =	vmul.u32 $0x12, v46  }
0x2e: {  	v56 =	vmul.u32 $0x12, v47;
	v37 =	vadd.s32 v33, v32;
	v36 =	vadd.s32 v35, v34  }
0x2f: {  	v39 =	vadd.s32 v39, v51;
	v38 =	vadd.s32 v41, v52;
	v35 =	vadd.s32 v43, v53  }
0x30: {  	v34 =	vadd.s32 v45, v54;
	v33 =	vadd.s32 v48, v55;
	vm15 =	veq.s32 v37, v11  }
0x31: {  	v32 =	vadd.s32 v50, v56;
	vm0 =	veq.s32 v36, v11;
	v57 =	vmpcnt.ones.xlane vm15  }
0x32: {  	v58 =	vmpcnt.ones.xlane vm0;
	vm0 =	veq.s32 v39, v11;
	vm15 =	veq.s32 v35, v11  }
0x33: {  	v59 =	vmpcnt.ones.xlane vm0;
	vm0 =	veq.s32 v38, v11;
	v61 =	vmpcnt.ones.xlane vm15  }
0x34: {  	vm15 =	veq.s32 v32, v11;
	v60 =	vmpcnt.ones.xlane vm0;
	vm0 =	veq.s32 v34, v11  }
0x35: {  	v48 =	vmpcnt.ones.xlane vm15;
	v62 =	vmpcnt.ones.xlane vm0;
	vm0 =	veq.s32 v33, v11  }
0x36: {  	v40 =	vadd.s32 v57, v58;
	v63 =	vmpcnt.ones.xlane vm0;
	vm0 =	veq.s32 v37, v0  }
0x37: {  	v40 =	vadd.s32 v59, v40;
	v49 =	vmpcnt.ones.xlane vm0;
	vm0 =	veq.s32 v36, v0  }
0x38: {  	v40 =	vadd.s32 v60, v40;
	v50 =	vmpcnt.ones.xlane vm0;
	vm0 =	veq.s32 v39, v0  }
0x39: {  	v40 =	vadd.s32 v61, v40;
	v51 =	vmpcnt.ones.xlane vm0;
	vm0 =	veq.s32 v38, v0  }
0x3a: {  	v40 =	vadd.s32 v62, v40;
	v52 =	vmpcnt.ones.xlane vm0;
	vm0 =	veq.s32 v35, v0  }
0x3b: {  	v40 =	vadd.s32 v63, v40;
	v53 =	vmpcnt.ones.xlane vm0;
	vm0 =	veq.s32 v34, v0  }
0x3c: {  	v40 =	vadd.s32 v48, v40;
	v54 =	vmpcnt.ones.xlane vm0;
	vm0 =	veq.s32 v33, v0  }
0x3d: {  	v63 =	vld [tilespmem:$0x1FFF0];
	v41 =	vadd.s32 v49, v50;
	v55 =	vmpcnt.ones.xlane vm0;
	vm0 =	veq.s32 v32, v0  }
0x3e: {  	v41 =	vadd.s32 v51, v41;
	v56 =	vmpcnt.ones.xlane vm0;
	vm0 =	veq.s32 v37, v1  }
0x3f: {  	v41 =	vadd.s32 v52, v41;
	v57 =	vmpcnt.ones.xlane vm0;
	vm0 =	veq.s32 v36, v1  }
0x40: {  	v41 =	vadd.s32 v53, v41;
	v58 =	vmpcnt.ones.xlane vm0;
	vm0 =	veq.s32 v39, v1  }
0x41: {  	v41 =	vadd.s32 v54, v41;
	v59 =	vmpcnt.ones.xlane vm0;
	vm0 =	veq.s32 v38, v1  }
0x42: {  	vm15 =	vnez.u8 v63;
	v60 =	vmpcnt.ones.xlane vm0;
	vm0 =	veq.s32 v35, v1  }
0x43: {  	v41 =	vadd.s32 v55, v41;
	v61 =	vmpcnt.ones.xlane vm0;
	vm0 =	veq.s32 v34, v1  }
0x44: {  	v41 =	vadd.s32 v56, v41;
	v62 =	vmpcnt.ones.xlane vm0;
	vm0 =	veq.s32 v33, v1  }
0x45: {  	v40 =	vsel vm15, v40, v41;
	v49 =	vmpcnt.ones.xlane vm0;
	vm0 =	veq.s32 v32, v1  }
0x46: {  	v43 =	vadd.s32 v57, v58;
	v50 =	vmpcnt.ones.xlane vm0;
	vm0 =	veq.s32 v37, v2  }
0x47: {  	v43 =	vadd.s32 v59, v43;
	v51 =	vmpcnt.ones.xlane vm0;
	vm0 =	veq.s32 v36, v2  }
0x48: {  	v43 =	vadd.s32 v60, v43;
	v52 =	vmpcnt.ones.xlane vm0;
	vm0 =	veq.s32 v39, v2  }
0x49: {  	v43 =	vadd.s32 v61, v43;
	v53 =	vmpcnt.ones.xlane vm0;
	vm0 =	veq.s32 v38, v2  }
0x4a: {  	v42 =	vadd.s32 v62, v43;
	v54 =	vmpcnt.ones.xlane vm0;
	vm0 =	veq.s32 v35, v2  }
0x4b: {  	v41 =	vadd.s32 v49, v42;
	v55 =	vmpcnt.ones.xlane vm0;
	vm0 =	veq.s32 v34, v2  }
0x4c: {  	v41 =	vadd.s32 v50, v41;
	v56 =	vmpcnt.ones.xlane vm0;
	vm0 =	veq.s32 v33, v2  }
0x4d: {  	v40 =	vsel vm1, v40, v41;
	v57 =	vmpcnt.ones.xlane vm0;
	vm0 =	veq.s32 v32, v2  }
0x4e: {  	v45 =	vadd.s32 v51, v52;
	v58 =	vmpcnt.ones.xlane vm0;
	vm0 =	veq.s32 v37, v3  }
0x4f: {  	v45 =	vadd.s32 v53, v45;
	v59 =	vmpcnt.ones.xlane vm0;
	vm0 =	veq.s32 v36, v3  }
0x50: {  	v43 =	vadd.s32 v54, v45;
	v60 =	vmpcnt.ones.xlane vm0;
	vm0 =	veq.s32 v39, v3  }
0x51: {  	v42 =	vadd.s32 v55, v43;
	v61 =	vmpcnt.ones.xlane vm0;
	vm0 =	veq.s32 v38, v3  }
0x52: {  	v42 =	vadd.s32 v56, v42;
	v62 =	vmpcnt.ones.xlane vm0;
	vm0 =	veq.s32 v35, v3  }
0x53: {  	v41 =	vadd.s32 v57, v42;
	v63 =	vmpcnt.ones.xlane vm0;
	vm0 =	veq.s32 v34, v3  }
0x54: {  	v41 =	vadd.s32 v58, v41;
	v48 =	vmpcnt.ones.xlane vm0;
	vm0 =	veq.s32 v33, v3  }
0x55: {  	v40 =	vsel vm2, v40, v41;
	v49 =	vmpcnt.ones.xlane vm0;
	vm0 =	veq.s32 v32, v3  }
0x56: {  	v45 =	vadd.s32 v59, v60;
	v50 =	vmpcnt.ones.xlane vm0;
	vm0 =	veq.s32 v37, v4  }
0x57: {  	v43 =	vadd.s32 v61, v45;
	v51 =	vmpcnt.ones.xlane vm0;
	vm0 =	veq.s32 v36, v4  }
0x58: {  	v43 =	vadd.s32 v62, v43;
	v52 =	vmpcnt.ones.xlane vm0;
	vm0 =	veq.s32 v39, v4  }
0x59: {  	v42 =	vadd.s32 v63, v43;
	v53 =	vmpcnt.ones.xlane vm0;
	vm0 =	veq.s32 v38, v4  }
0x5a: {  	v42 =	vadd.s32 v48, v42;
	v54 =	vmpcnt.ones.xlane vm0;
	vm0 =	veq.s32 v35, v4  }
0x5b: {  	v41 =	vadd.s32 v49, v42;
	v55 =	vmpcnt.ones.xlane vm0;
	vm0 =	veq.s32 v34, v4  }
0x5c: {  	v41 =	vadd.s32 v50, v41;
	v56 =	vmpcnt.ones.xlane vm0;
	vm0 =	veq.s32 v33, v4  }
0x5d: {  	v40 =	vsel vm3, v40, v41;
	v57 =	vmpcnt.ones.xlane vm0;
	vm0 =	veq.s32 v32, v4  }
0x5e: {  	v44 =	vadd.s32 v51, v52;
	v58 =	vmpcnt.ones.xlane vm0;
	vm0 =	veq.s32 v37, v5  }
0x5f: {  	v43 =	vadd.s32 v53, v44;
	v59 =	vmpcnt.ones.xlane vm0;
	vm0 =	veq.s32 v36, v5  }
0x60: {  	v43 =	vadd.s32 v54, v43;
	v60 =	vmpcnt.ones.xlane vm0;
	vm0 =	veq.s32 v39, v5  }
0x61: {  	v42 =	vadd.s32 v55, v43;
	v61 =	vmpcnt.ones.xlane vm0;
	vm0 =	veq.s32 v38, v5  }
0x62: {  	v42 =	vadd.s32 v56, v42;
	v62 =	vmpcnt.ones.xlane vm0;
	vm0 =	veq.s32 v35, v5  }
0x63: {  	v41 =	vadd.s32 v57, v42;
	v63 =	vmpcnt.ones.xlane vm0;
	vm0 =	veq.s32 v34, v5  }
0x64: {  	v41 =	vadd.s32 v58, v41;
	v48 =	vmpcnt.ones.xlane vm0;
	vm0 =	veq.s32 v33, v5  }
0x65: {  	v40 =	vsel vm4, v40, v41;
	v49 =	vmpcnt.ones.xlane vm0;
	vm0 =	veq.s32 v32, v5  }
0x66: {  	v44 =	vadd.s32 v59, v60;
	v50 =	vmpcnt.ones.xlane vm0;
	vm0 =	veq.s32 v37, v6  }
0x67: {  	v43 =	vadd.s32 v61, v44;
	v51 =	vmpcnt.ones.xlane vm0;
	vm0 =	veq.s32 v36, v6  }
0x68: {  	v43 =	vadd.s32 v62, v43;
	v52 =	vmpcnt.ones.xlane vm0;
	vm0 =	veq.s32 v39, v6  }
0x69: {  	v42 =	vadd.s32 v63, v43;
	v53 =	vmpcnt.ones.xlane vm0;
	vm0 =	veq.s32 v38, v6  }
0x6a: {  	v42 =	vadd.s32 v48, v42;
	v54 =	vmpcnt.ones.xlane vm0;
	vm0 =	veq.s32 v35, v6  }
0x6b: {  	v41 =	vadd.s32 v49, v42;
	v55 =	vmpcnt.ones.xlane vm0;
	vm0 =	veq.s32 v34, v6  }
0x6c: {  	v41 =	vadd.s32 v50, v41;
	v56 =	vmpcnt.ones.xlane vm0;
	vm0 =	veq.s32 v33, v6  }
0x6d: {  	v40 =	vsel vm5, v40, v41;
	v57 =	vmpcnt.ones.xlane vm0;
	vm0 =	veq.s32 v32, v6  }
0x6e: {  	v44 =	vadd.s32 v51, v52;
	v58 =	vmpcnt.ones.xlane vm0;
	vm0 =	veq.s32 v37, v7  }
0x6f: {  	v43 =	vadd.s32 v53, v44;
	v59 =	vmpcnt.ones.xlane vm0;
	vm0 =	veq.s32 v36, v7  }
0x70: {  	v43 =	vadd.s32 v54, v43;
	v60 =	vmpcnt.ones.xlane vm0;
	vm0 =	veq.s32 v39, v7  }
0x71: {  	v42 =	vadd.s32 v55, v43;
	v61 =	vmpcnt.ones.xlane vm0;
	vm0 =	veq.s32 v38, v7  }
0x72: {  	v42 =	vadd.s32 v56, v42;
	v62 =	vmpcnt.ones.xlane vm0;
	vm0 =	veq.s32 v35, v7  }
0x73: {  	v41 =	vadd.s32 v57, v42;
	v63 =	vmpcnt.ones.xlane vm0;
	vm0 =	veq.s32 v34, v7  }
0x74: {  	v41 =	vadd.s32 v58, v41;
	v48 =	vmpcnt.ones.xlane vm0;
	vm0 =	veq.s32 v33, v7  }
0x75: {  	v40 =	vsel vm6, v40, v41;
	v49 =	vmpcnt.ones.xlane vm0;
	vm0 =	veq.s32 v32, v7  }
0x76: {  	v44 =	vadd.s32 v59, v60;
	v50 =	vmpcnt.ones.xlane vm0;
	vm0 =	veq.s32 v37, v8  }
0x77: {  	v43 =	vadd.s32 v61, v44;
	v51 =	vmpcnt.ones.xlane vm0;
	vm0 =	veq.s32 v36, v8  }
0x78: {  	v43 =	vadd.s32 v62, v43;
	v52 =	vmpcnt.ones.xlane vm0;
	vm0 =	veq.s32 v39, v8  }
0x79: {  	v42 =	vadd.s32 v63, v43;
	v53 =	vmpcnt.ones.xlane vm0;
	vm0 =	veq.s32 v38, v8  }
0x7a: {  	v42 =	vadd.s32 v48, v42;
	v54 =	vmpcnt.ones.xlane vm0;
	vm0 =	veq.s32 v35, v8  }
0x7b: {  	v41 =	vadd.s32 v49, v42;
	v55 =	vmpcnt.ones.xlane vm0;
	vm0 =	veq.s32 v34, v8  }
0x7c: {  	v41 =	vadd.s32 v50, v41;
	v56 =	vmpcnt.ones.xlane vm0;
	vm0 =	veq.s32 v33, v8  }
0x7d: {  	v40 =	vsel vm7, v40, v41;
	v57 =	vmpcnt.ones.xlane vm0;
	vm0 =	veq.s32 v32, v8  }
0x7e: {  	v44 =	vadd.s32 v51, v52;
	v58 =	vmpcnt.ones.xlane vm0;
	vm0 =	veq.s32 v37, v9  }
0x7f: {  	v43 =	vadd.s32 v53, v44;
	v59 =	vmpcnt.ones.xlane vm0;
	vm0 =	veq.s32 v36, v9  }
0x80: {  	v43 =	vadd.s32 v54, v43;
	v60 =	vmpcnt.ones.xlane vm0;
	vm0 =	veq.s32 v39, v9  }
0x81: {  	v42 =	vadd.s32 v55, v43;
	v61 =	vmpcnt.ones.xlane vm0;
	vm0 =	veq.s32 v38, v9  }
0x82: {  	v42 =	vadd.s32 v56, v42;
	v62 =	vmpcnt.ones.xlane vm0;
	vm0 =	veq.s32 v35, v9  }
0x83: {  	v41 =	vadd.s32 v57, v42;
	v63 =	vmpcnt.ones.xlane vm0;
	vm0 =	veq.s32 v34, v9  }
0x84: {  	v41 =	vadd.s32 v58, v41;
	v48 =	vmpcnt.ones.xlane vm0;
	vm0 =	veq.s32 v33, v9  }
0x85: {  	v40 =	vsel vm8, v40, v41;
	v49 =	vmpcnt.ones.xlane vm0;
	vm0 =	veq.s32 v32, v9  }
0x86: {  	v44 =	vadd.s32 v59, v60;
	v50 =	vmpcnt.ones.xlane vm0;
	vm0 =	veq.s32 v37, v10  }
0x87: {  	v43 =	vadd.s32 v61, v44;
	v51 =	vmpcnt.ones.xlane vm0;
	vm0 =	veq.s32 v36, v10  }
0x88: {  	v43 =	vadd.s32 v62, v43;
	v52 =	vmpcnt.ones.xlane vm0;
	vm0 =	veq.s32 v39, v10  }
0x89: {  	v42 =	vadd.s32 v63, v43;
	v53 =	vmpcnt.ones.xlane vm0;
	vm0 =	veq.s32 v38, v10  }
0x8a: {  	v42 =	vadd.s32 v48, v42;
	v54 =	vmpcnt.ones.xlane vm0;
	vm0 =	veq.s32 v35, v10  }
0x8b: {  	v41 =	vadd.s32 v49, v42;
	v55 =	vmpcnt.ones.xlane vm0;
	vm0 =	veq.s32 v34, v10  }
0x8c: {  	v41 =	vadd.s32 v50, v41;
	v56 =	vmpcnt.ones.xlane vm0;
	vm0 =	veq.s32 v33, v10  }
0x8d: {  	v40 =	vsel vm9, v40, v41;
	v57 =	vmpcnt.ones.xlane vm0;
	vm0 =	veq.s32 v32, v10  }
0x8e: {  	v44 =	vadd.s32 v51, v52;
	v58 =	vmpcnt.ones.xlane vm0;
	vm0 =	veq.s32 v37, v12  }
0x8f: {  	v43 =	vadd.s32 v53, v44;
	v59 =	vmpcnt.ones.xlane vm0;
	vm0 =	veq.s32 v36, v12  }
0x90: {  	v43 =	vadd.s32 v54, v43;
	v60 =	vmpcnt.ones.xlane vm0;
	vm0 =	veq.s32 v39, v12  }
0x91: {  	v42 =	vadd.s32 v55, v43;
	v61 =	vmpcnt.ones.xlane vm0;
	vm0 =	veq.s32 v38, v12  }
0x92: {  	v42 =	vadd.s32 v56, v42;
	v62 =	vmpcnt.ones.xlane vm0;
	vm0 =	veq.s32 v35, v12  }
0x93: {  	v41 =	vadd.s32 v57, v42;
	v63 =	vmpcnt.ones.xlane vm0;
	vm0 =	veq.s32 v34, v12  }
0x94: {  	v41 =	vadd.s32 v58, v41;
	v48 =	vmpcnt.ones.xlane vm0;
	vm0 =	veq.s32 v33, v12  }
0x95: {  	v40 =	vsel vm10, v40, v41;
	v49 =	vmpcnt.ones.xlane vm0;
	vm0 =	veq.s32 v32, v12  }
0x96: {  	v44 =	vadd.s32 v59, v60;
	v50 =	vmpcnt.ones.xlane vm0;
	vm0 =	veq.s32 v37, v13  }
0x97: {  	v43 =	vadd.s32 v61, v44;
	v51 =	vmpcnt.ones.xlane vm0;
	vm0 =	veq.s32 v36, v13  }
0x98: {  	v43 =	vadd.s32 v62, v43;
	v52 =	vmpcnt.ones.xlane vm0;
	vm0 =	veq.s32 v39, v13  }
0x99: {  	v42 =	vadd.s32 v63, v43;
	v53 =	vmpcnt.ones.xlane vm0;
	vm0 =	veq.s32 v38, v13  }
0x9a: {  	v42 =	vadd.s32 v48, v42;
	v54 =	vmpcnt.ones.xlane vm0;
	vm0 =	veq.s32 v35, v13  }
0x9b: {  	v41 =	vadd.s32 v49, v42;
	v55 =	vmpcnt.ones.xlane vm0;
	vm0 =	veq.s32 v34, v13  }
0x9c: {  	v41 =	vadd.s32 v50, v41;
	v56 =	vmpcnt.ones.xlane vm0;
	vm0 =	veq.s32 v33, v13  }
0x9d: {  	v40 =	vsel vm11, v40, v41;
	v57 =	vmpcnt.ones.xlane vm0;
	vm0 =	veq.s32 v32, v13  }
0x9e: {  	v44 =	vadd.s32 v51, v52;
	v58 =	vmpcnt.ones.xlane vm0;
	vm0 =	veq.s32 v37, v14  }
0x9f: {  	v43 =	vadd.s32 v53, v44;
	v59 =	vmpcnt.ones.xlane vm0;
	vm0 =	veq.s32 v36, v14  }
0xa0: {  	v43 =	vadd.s32 v54, v43;
	v60 =	vmpcnt.ones.xlane vm0;
	vm0 =	veq.s32 v39, v14  }
0xa1: {  	v42 =	vadd.s32 v55, v43;
	v61 =	vmpcnt.ones.xlane vm0;
	vm0 =	veq.s32 v38, v14  }
0xa2: {  	v42 =	vadd.s32 v56, v42;
	v62 =	vmpcnt.ones.xlane vm0;
	vm0 =	veq.s32 v35, v14  }
0xa3: {  	v41 =	vadd.s32 v57, v42;
	v63 =	vmpcnt.ones.xlane vm0;
	vm0 =	veq.s32 v34, v14  }
0xa4: {  	v41 =	vadd.s32 v58, v41;
	v48 =	vmpcnt.ones.xlane vm0;
	vm0 =	veq.s32 v33, v14  }
0xa5: {  	v40 =	vsel vm12, v40, v41;
	v49 =	vmpcnt.ones.xlane vm0;
	vm0 =	veq.s32 v32, v14  }
0xa6: {  	v44 =	vadd.s32 v59, v60;
	v50 =	vmpcnt.ones.xlane vm0;
	vm0 =	veq.s32 v37, v15  }
0xa7: {  	v43 =	vadd.s32 v61, v44;
	v51 =	vmpcnt.ones.xlane vm0;
	vm0 =	veq.s32 v36, v15  }
0xa8: {  	v43 =	vadd.s32 v62, v43;
	v52 =	vmpcnt.ones.xlane vm0;
	vm0 =	veq.s32 v39, v15  }
0xa9: {  	v42 =	vadd.s32 v63, v43;
	v53 =	vmpcnt.ones.xlane vm0;
	vm0 =	veq.s32 v38, v15  }
0xaa: {  	v42 =	vadd.s32 v48, v42;
	v54 =	vmpcnt.ones.xlane vm0;
	vm0 =	veq.s32 v35, v15  }
0xab: {  	v41 =	vadd.s32 v49, v42;
	v55 =	vmpcnt.ones.xlane vm0;
	vm0 =	veq.s32 v34, v15  }
0xac: {  	v41 =	vadd.s32 v50, v41;
	v56 =	vmpcnt.ones.xlane vm0;
	vm0 =	veq.s32 v33, v15  }
0xad: {  	v40 =	vsel vm13, v40, v41;
	v57 =	vmpcnt.ones.xlane vm0;
	vm0 =	veq.s32 v32, v15  }
0xae: {  	v44 =	vadd.s32 v51, v52;
	v58 =	vmpcnt.ones.xlane vm0;
	vm0 =	veq.s32 v37, v26  }
0xaf: {  	v43 =	vadd.s32 v53, v44;
	v59 =	vmpcnt.ones.xlane vm0;
	vm0 =	veq.s32 v36, v26  }
0xb0: {  	v43 =	vadd.s32 v54, v43;
	v60 =	vmpcnt.ones.xlane vm0;
	vm0 =	veq.s32 v39, v26  }
0xb1: {  	v42 =	vadd.s32 v55, v43;
	v61 =	vmpcnt.ones.xlane vm0;
	vm0 =	veq.s32 v38, v26  }
0xb2: {  	v42 =	vadd.s32 v56, v42;
	v62 =	vmpcnt.ones.xlane vm0;
	vm0 =	veq.s32 v35, v26  }
0xb3: {  	v41 =	vadd.s32 v57, v42;
	v63 =	vmpcnt.ones.xlane vm0;
	vm0 =	veq.s32 v34, v26  }
0xb4: {  	v41 =	vadd.s32 v58, v41;
	v48 =	vmpcnt.ones.xlane vm0;
	vm0 =	veq.s32 v33, v26  }
0xb5: {  	v40 =	vsel vm14, v40, v41;
	v49 =	vmpcnt.ones.xlane vm0;
	vm0 =	veq.s32 v32, v26  }
0xb6: {  	v44 =	vadd.s32 v59, v60;
	v50 =	vmpcnt.ones.xlane vm0;
	vm0 =	veq.s32 v37, v16  }
0xb7: {  	v43 =	vadd.s32 v61, v44;
	v51 =	vmpcnt.ones.xlane vm0;
	vm0 =	veq.s32 v36, v16  }
0xb8: {  	v43 =	vadd.s32 v62, v43;
	v52 =	vmpcnt.ones.xlane vm0;
	vm0 =	veq.s32 v39, v16  }
0xb9: {  	v42 =	vadd.s32 v63, v43;
	v53 =	vmpcnt.ones.xlane vm0;
	vm0 =	veq.s32 v38, v16  }
0xba: {  	v42 =	vadd.s32 v48, v42;
	v54 =	vmpcnt.ones.xlane vm0;
	vm0 =	veq.s32 v35, v16  }
0xbb: {  	v41 =	vadd.s32 v49, v42;
	v55 =	vmpcnt.ones.xlane vm0;
	vm0 =	veq.s32 v34, v16  }
0xbc: {  	v41 =	vadd.s32 v50, v41;
	v56 =	vmpcnt.ones.xlane vm0;
	vm0 =	veq.s32 v33, v16  }
0xbd: {  	v44 =	vadd.s32 v51, v52;
	v57 =	vmpcnt.ones.xlane vm0;
	vm0 =	veq.s32 v32, v16  }
0xbe: {  	v43 =	vadd.s32 v53, v44;
	v58 =	vmpcnt.ones.xlane vm0;
	vm0 =	veq.s32 v37, v17  }
0xbf: {  	v43 =	vadd.s32 v54, v43;
	v59 =	vmpcnt.ones.xlane vm0;
	vm0 =	veq.s32 v36, v17  }
0xc0: {  	v42 =	vadd.s32 v55, v43;
	v60 =	vmpcnt.ones.xlane vm0;
	vm0 =	veq.s32 v39, v17  }
0xc1: {  	v42 =	vadd.s32 v56, v42;
	v61 =	vmpcnt.ones.xlane vm0;
	vm0 =	veq.s32 v38, v17  }
0xc2: {  	v42 =	vadd.s32 v57, v42;
	v62 =	vmpcnt.ones.xlane vm0;
	vm0 =	veq.s32 v35, v17  }
0xc3: {  	v42 =	vadd.s32 v58, v42;
	v63 =	vmpcnt.ones.xlane vm0;
	vm0 =	veq.s32 v34, v17  }
0xc4: {  	v41 =	vsel vm15, v41, v42;
	v48 =	vmpcnt.ones.xlane vm0;
	vm0 =	veq.s32 v33, v17  }
0xc5: {  	v43 =	vadd.s32 v59, v60;
	v49 =	vmpcnt.ones.xlane vm0;
	vm0 =	veq.s32 v32, v17  }
0xc6: {  	v43 =	vadd.s32 v61, v43;
	v50 =	vmpcnt.ones.xlane vm0;
	vm0 =	veq.s32 v37, v18  }
0xc7: {  	v43 =	vadd.s32 v62, v43;
	v51 =	vmpcnt.ones.xlane vm0;
	vm0 =	veq.s32 v36, v18  }
0xc8: {  	v43 =	vadd.s32 v63, v43;
	v52 =	vmpcnt.ones.xlane vm0;
	vm0 =	veq.s32 v39, v18  }
0xc9: {  	v42 =	vadd.s32 v48, v43;
	v53 =	vmpcnt.ones.xlane vm0;
	vm0 =	veq.s32 v38, v18  }
0xca: {  	v42 =	vadd.s32 v49, v42;
	v54 =	vmpcnt.ones.xlane vm0;
	vm0 =	veq.s32 v35, v18  }
0xcb: {  	v42 =	vadd.s32 v50, v42;
	v55 =	vmpcnt.ones.xlane vm0;
	vm0 =	veq.s32 v34, v18  }
0xcc: {  	v41 =	vsel vm1, v41, v42;
	v56 =	vmpcnt.ones.xlane vm0;
	vm0 =	veq.s32 v33, v18  }
0xcd: {  	v44 =	vadd.s32 v51, v52;
	v57 =	vmpcnt.ones.xlane vm0;
	vm0 =	veq.s32 v32, v18  }
0xce: {  	v43 =	vadd.s32 v53, v44;
	v58 =	vmpcnt.ones.xlane vm0;
	vm0 =	veq.s32 v37, v19  }
0xcf: {  	v43 =	vadd.s32 v54, v43;
	v59 =	vmpcnt.ones.xlane vm0;
	vm0 =	veq.s32 v36, v19  }
0xd0: {  	v43 =	vadd.s32 v55, v43;
	v60 =	vmpcnt.ones.xlane vm0;
	vm0 =	veq.s32 v39, v19  }
0xd1: {  	v42 =	vadd.s32 v56, v43;
	v61 =	vmpcnt.ones.xlane vm0;
	vm0 =	veq.s32 v38, v19  }
0xd2: {  	v42 =	vadd.s32 v57, v42;
	v62 =	vmpcnt.ones.xlane vm0;
	vm0 =	veq.s32 v35, v19  }
0xd3: {  	v42 =	vadd.s32 v58, v42;
	v63 =	vmpcnt.ones.xlane vm0;
	vm0 =	veq.s32 v34, v19  }
0xd4: {  	v41 =	vsel vm2, v41, v42;
	v48 =	vmpcnt.ones.xlane vm0;
	vm0 =	veq.s32 v33, v19  }
0xd5: {  	v46 =	vadd.s32 v59, v60;
	v49 =	vmpcnt.ones.xlane vm0;
	vm0 =	veq.s32 v32, v19  }
0xd6: {  	v43 =	vadd.s32 v61, v46;
	v50 =	vmpcnt.ones.xlane vm0;
	vm0 =	veq.s32 v37, v20  }
0xd7: {  	v43 =	vadd.s32 v62, v43;
	v51 =	vmpcnt.ones.xlane vm0;
	vm0 =	veq.s32 v36, v20  }
0xd8: {  	v43 =	vadd.s32 v63, v43;
	v52 =	vmpcnt.ones.xlane vm0;
	vm0 =	veq.s32 v39, v20  }
0xd9: {  	v42 =	vadd.s32 v48, v43;
	v53 =	vmpcnt.ones.xlane vm0;
	vm0 =	veq.s32 v38, v20  }
0xda: {  	v42 =	vadd.s32 v49, v42;
	v54 =	vmpcnt.ones.xlane vm0;
	vm0 =	veq.s32 v35, v20  }
0xdb: {  	v42 =	vadd.s32 v50, v42;
	v55 =	vmpcnt.ones.xlane vm0;
	vm0 =	veq.s32 v34, v20  }
0xdc: {  	v41 =	vsel vm3, v41, v42;
	v56 =	vmpcnt.ones.xlane vm0;
	vm0 =	veq.s32 v33, v20  }
0xdd: {  	v44 =	vadd.s32 v51, v52;
	v57 =	vmpcnt.ones.xlane vm0;
	vm0 =	veq.s32 v32, v20  }
0xde: {  	v43 =	vadd.s32 v53, v44;
	v58 =	vmpcnt.ones.xlane vm0;
	vm0 =	veq.s32 v37, v21  }
0xdf: {  	v43 =	vadd.s32 v54, v43;
	v59 =	vmpcnt.ones.xlane vm0;
	vm0 =	veq.s32 v36, v21  }
0xe0: {  	v43 =	vadd.s32 v55, v43;
	v60 =	vmpcnt.ones.xlane vm0;
	vm0 =	veq.s32 v39, v21  }
0xe1: {  	v42 =	vadd.s32 v56, v43;
	v61 =	vmpcnt.ones.xlane vm0;
	vm0 =	veq.s32 v38, v21  }
0xe2: {  	v42 =	vadd.s32 v57, v42;
	v62 =	vmpcnt.ones.xlane vm0;
	vm0 =	veq.s32 v35, v21  }
0xe3: {  	v42 =	vadd.s32 v58, v42;
	v63 =	vmpcnt.ones.xlane vm0;
	vm0 =	veq.s32 v34, v21  }
0xe4: {  	v41 =	vsel vm4, v41, v42;
	v48 =	vmpcnt.ones.xlane vm0;
	vm0 =	veq.s32 v33, v21  }
0xe5: {  	v46 =	vadd.s32 v59, v60;
	v49 =	vmpcnt.ones.xlane vm0;
	vm0 =	veq.s32 v32, v21  }
0xe6: {  	v43 =	vadd.s32 v61, v46;
	v50 =	vmpcnt.ones.xlane vm0;
	vm0 =	veq.s32 v37, v22  }
0xe7: {  	v43 =	vadd.s32 v62, v43;
	v51 =	vmpcnt.ones.xlane vm0;
	vm0 =	veq.s32 v36, v22  }
0xe8: {  	v43 =	vadd.s32 v63, v43;
	v52 =	vmpcnt.ones.xlane vm0;
	vm0 =	veq.s32 v39, v22  }
0xe9: {  	v42 =	vadd.s32 v48, v43;
	v53 =	vmpcnt.ones.xlane vm0;
	vm0 =	veq.s32 v38, v22  }
0xea: {  	v42 =	vadd.s32 v49, v42;
	v54 =	vmpcnt.ones.xlane vm0;
	vm0 =	veq.s32 v35, v22  }
0xeb: {  	v42 =	vadd.s32 v50, v42;
	v55 =	vmpcnt.ones.xlane vm0;
	vm0 =	veq.s32 v34, v22  }
0xec: {  	v41 =	vsel vm5, v41, v42;
	v56 =	vmpcnt.ones.xlane vm0;
	vm0 =	veq.s32 v33, v22  }
0xed: {  	v44 =	vadd.s32 v51, v52;
	v57 =	vmpcnt.ones.xlane vm0;
	vm0 =	veq.s32 v32, v22  }
0xee: {  	v43 =	vadd.s32 v53, v44;
	v58 =	vmpcnt.ones.xlane vm0;
	vm0 =	veq.s32 v37, v23  }
0xef: {  	v43 =	vadd.s32 v54, v43;
	v59 =	vmpcnt.ones.xlane vm0;
	vm0 =	veq.s32 v36, v23  }
0xf0: {  	v43 =	vadd.s32 v55, v43;
	v60 =	vmpcnt.ones.xlane vm0;
	vm0 =	veq.s32 v39, v23  }
0xf1: {  	v42 =	vadd.s32 v56, v43;
	v61 =	vmpcnt.ones.xlane vm0;
	vm0 =	veq.s32 v38, v23  }
0xf2: {  	v42 =	vadd.s32 v57, v42;
	v62 =	vmpcnt.ones.xlane vm0;
	vm0 =	veq.s32 v35, v23  }
0xf3: {  	v42 =	vadd.s32 v58, v42;
	v63 =	vmpcnt.ones.xlane vm0;
	vm0 =	veq.s32 v34, v23  }
0xf4: {  	v41 =	vsel vm6, v41, v42;
	v48 =	vmpcnt.ones.xlane vm0;
	vm0 =	veq.s32 v33, v23  }
0xf5: {  	v46 =	vadd.s32 v59, v60;
	v49 =	vmpcnt.ones.xlane vm0;
	vm0 =	veq.s32 v32, v23  }
0xf6: {  	v43 =	vadd.s32 v61, v46;
	v50 =	vmpcnt.ones.xlane vm0;
	vm0 =	veq.s32 v37, v24  }
0xf7: {  	v43 =	vadd.s32 v62, v43;
	v51 =	vmpcnt.ones.xlane vm0;
	vm0 =	veq.s32 v36, v24  }
0xf8: {  	v43 =	vadd.s32 v63, v43;
	v52 =	vmpcnt.ones.xlane vm0;
	vm0 =	veq.s32 v39, v24  }
0xf9: {  	v42 =	vadd.s32 v48, v43;
	v53 =	vmpcnt.ones.xlane vm0;
	vm0 =	veq.s32 v38, v24  }
0xfa: {  	v42 =	vadd.s32 v49, v42;
	v54 =	vmpcnt.ones.xlane vm0;
	vm0 =	veq.s32 v35, v24  }
0xfb: {  	v42 =	vadd.s32 v50, v42;
	v55 =	vmpcnt.ones.xlane vm0;
	vm0 =	veq.s32 v34, v24  }
0xfc: {  	v41 =	vsel vm7, v41, v42;
	v56 =	vmpcnt.ones.xlane vm0;
	vm0 =	veq.s32 v33, v24  }
0xfd: {  	v44 =	vadd.s32 v51, v52;
	v57 =	vmpcnt.ones.xlane vm0;
	vm0 =	veq.s32 v32, v24  }
0xfe: {  	v43 =	vadd.s32 v53, v44;
	v58 =	vmpcnt.ones.xlane vm0;
	vm0 =	veq.s32 v37, v25  }
0xff: {  	v43 =	vadd.s32 v54, v43;
	v59 =	vmpcnt.ones.xlane vm0;
	vm0 =	veq.s32 v36, v25  }
0x100: {  	v43 =	vadd.s32 v55, v43;
	v60 =	vmpcnt.ones.xlane vm0;
	vm0 =	veq.s32 v39, v25  }
0x101: {  	v42 =	vadd.s32 v56, v43;
	v61 =	vmpcnt.ones.xlane vm0;
	vm0 =	veq.s32 v38, v25  }
0x102: {  	v42 =	vadd.s32 v57, v42;
	v62 =	vmpcnt.ones.xlane vm0;
	vm0 =	veq.s32 v35, v25  }
0x103: {  	v42 =	vadd.s32 v58, v42;
	v63 =	vmpcnt.ones.xlane vm0;
	vm0 =	veq.s32 v34, v25  }
0x104: {  	v41 =	vsel vm8, v41, v42;
	v48 =	vmpcnt.ones.xlane vm0;
	vm0 =	veq.s32 v33, v25  }
0x105: {  	v46 =	vadd.s32 v59, v60;
	v49 =	vmpcnt.ones.xlane vm0;
	vm0 =	veq.s32 v32, v25  }
0x106: {  	v43 =	vadd.s32 v61, v46;
	v50 =	vmpcnt.ones.xlane vm0;
	vm0 =	veq.s32 v37, v27  }
0x107: {  	v43 =	vadd.s32 v62, v43;
	v51 =	vmpcnt.ones.xlane vm0;
	vm0 =	veq.s32 v36, v27  }
0x108: {  	v43 =	vadd.s32 v63, v43;
	v52 =	vmpcnt.ones.xlane vm0;
	vm0 =	veq.s32 v39, v27  }
0x109: {  	v42 =	vadd.s32 v48, v43;
	v53 =	vmpcnt.ones.xlane vm0;
	vm0 =	veq.s32 v38, v27  }
0x10a: {  	v42 =	vadd.s32 v49, v42;
	v54 =	vmpcnt.ones.xlane vm0;
	vm0 =	veq.s32 v35, v27  }
0x10b: {  	v42 =	vadd.s32 v50, v42;
	v55 =	vmpcnt.ones.xlane vm0;
	vm0 =	veq.s32 v34, v27  }
0x10c: {  	v41 =	vsel vm9, v41, v42;
	v56 =	vmpcnt.ones.xlane vm0;
	vm0 =	veq.s32 v33, v27  }
0x10d: {  	v44 =	vadd.s32 v51, v52;
	v57 =	vmpcnt.ones.xlane vm0;
	vm0 =	veq.s32 v32, v27  }
0x10e: {  	v43 =	vadd.s32 v53, v44;
	v58 =	vmpcnt.ones.xlane vm0;
	vm0 =	veq.s32 v37, v28  }
0x10f: {  	v43 =	vadd.s32 v54, v43;
	v59 =	vmpcnt.ones.xlane vm0;
	vm0 =	veq.s32 v36, v28  }
0x110: {  	v43 =	vadd.s32 v55, v43;
	v60 =	vmpcnt.ones.xlane vm0;
	vm0 =	veq.s32 v39, v28  }
0x111: {  	v42 =	vadd.s32 v56, v43;
	v61 =	vmpcnt.ones.xlane vm0;
	vm0 =	veq.s32 v38, v28  }
0x112: {  	v42 =	vadd.s32 v57, v42;
	v62 =	vmpcnt.ones.xlane vm0;
	vm0 =	veq.s32 v35, v28  }
0x113: {  	v42 =	vadd.s32 v58, v42;
	v63 =	vmpcnt.ones.xlane vm0;
	vm0 =	veq.s32 v34, v28  }
0x114: {  	v41 =	vsel vm10, v41, v42;
	v48 =	vmpcnt.ones.xlane vm0;
	vm0 =	veq.s32 v33, v28  }
0x115: {  	v46 =	vadd.s32 v59, v60;
	v49 =	vmpcnt.ones.xlane vm0;
	vm0 =	veq.s32 v32, v28  }
0x116: {  	v43 =	vadd.s32 v61, v46;
	v50 =	vmpcnt.ones.xlane vm0;
	vm0 =	veq.s32 v37, v29  }
0x117: {  	v43 =	vadd.s32 v62, v43;
	v51 =	vmpcnt.ones.xlane vm0;
	vm0 =	veq.s32 v36, v29  }
0x118: {  	v43 =	vadd.s32 v63, v43;
	v52 =	vmpcnt.ones.xlane vm0;
	vm0 =	veq.s32 v39, v29  }
0x119: {  	v42 =	vadd.s32 v48, v43;
	v53 =	vmpcnt.ones.xlane vm0;
	vm0 =	veq.s32 v38, v29  }
0x11a: {  	v42 =	vadd.s32 v49, v42;
	v54 =	vmpcnt.ones.xlane vm0;
	vm0 =	veq.s32 v35, v29  }
0x11b: {  	v42 =	vadd.s32 v50, v42;
	v55 =	vmpcnt.ones.xlane vm0;
	vm0 =	veq.s32 v34, v29  }
0x11c: {  	v41 =	vsel vm11, v41, v42;
	v56 =	vmpcnt.ones.xlane vm0;
	vm0 =	veq.s32 v33, v29  }
0x11d: {  	v44 =	vadd.s32 v51, v52;
	v57 =	vmpcnt.ones.xlane vm0;
	vm0 =	veq.s32 v32, v29  }
0x11e: {  	v43 =	vadd.s32 v53, v44;
	v58 =	vmpcnt.ones.xlane vm0;
	vm0 =	veq.s32 v37, v30  }
0x11f: {  	v43 =	vadd.s32 v54, v43;
	v59 =	vmpcnt.ones.xlane vm0;
	vm0 =	veq.s32 v36, v30  }
0x120: {  	v43 =	vadd.s32 v55, v43;
	v60 =	vmpcnt.ones.xlane vm0;
	vm0 =	veq.s32 v39, v30  }
0x121: {  	v42 =	vadd.s32 v56, v43;
	v61 =	vmpcnt.ones.xlane vm0;
	vm0 =	veq.s32 v38, v30  }
0x122: {  	v42 =	vadd.s32 v57, v42;
	v62 =	vmpcnt.ones.xlane vm0;
	vm0 =	veq.s32 v35, v30  }
0x123: {  	v57 =	vcvt.s32.f32 v40;
	v63 =	vmpcnt.ones.xlane vm0;
	vm0 =	veq.s32 v34, v30  }
0x124: {  	v42 =	vadd.s32 v58, v42;
	v48 =	vmpcnt.ones.xlane vm0;
	vm0 =	veq.s32 v33, v30  }
0x125: {  	v46 =	vadd.s32 v59, v60;
	v49 =	vmpcnt.ones.xlane vm0;
	vm0 =	veq.s32 v37, v31  }
0x126: {  	v43 =	vadd.s32 v61, v46;
	v51 =	vmpcnt.ones.xlane vm0;
	vm0 =	veq.s32 v36, v31  }
0x127: {  	v50 =	vadd.s32 v62, v43;
	v53 =	vmpcnt.ones.xlane vm0;
	vm0 =	veq.s32 v39, v31  }
0x128: {  	v52 =	vadd.s32 v63, v50;
	v39 =	vmpcnt.ones.xlane vm0;
	vm0 =	veq.s32 v38, v31  }
0x129: {  	v36 =	vadd.s32 v48, v52;
	v38 =	vmpcnt.ones.xlane vm0;
	vm0 =	veq.s32 v32, v30  }
0x12a: {  	v37 =	vadd.s32 v51, v53;
	v54 =	vmpcnt.ones.xlane vm0;
	vm0 =	veq.s32 v35, v31  }
0x12b: {  	v37 =	vadd.s32 v39, v37;
	v56 =	vmpcnt.ones.xlane vm0;
	vm0 =	veq.s32 v34, v31  }
0x12c: {  	v55 =	vadd.s32 v38, v37;
	v58 =	vmpcnt.ones.xlane vm0;
	vm0 =	veq.s32 v33, v31  }
0x12d: {  	v59 =	vadd.s32 v56, v55;
	v60 =	vmpcnt.ones.xlane vm0;
	vm0 =	veq.s32 v32, v31  }
0x12e: {  	v61 =	vadd.s32 v49, v36;
	v33 =	vadd.s32 v58, v59;
	v62 =	vmpcnt.ones.xlane vm0  }
0x12f: {  	[tilespmem:$0x100] =	vst v57;
	v63 =	vsel vm12, v41, v42;
	v32 =	vadd.s32 v54, v61;
	v33 =	vadd.s32 v60, v33  }
0x130: {  	[hbm4b:s5+s3] =	stream.linear.scatter [tilespmem:s8], [sflag:$0x1], $0x10, $0x38;
	v32 =	vsel vm13, v63, v32;
	v33 =	vadd.s32 v62, v33;
	[tilespmem:$0x180] =	vst v63  }
0x131: {  	_ =	swait.ge [sflag:s4], $0x10;
	v32 =	vsel vm14, v32, v33  }
0x132: {  	[sflag:s4] =	ssyncset.done $0x0;
	v32 =	vcvt.s32.f32 v32  }
0x133: {  	p0 =	sne.s32 s7, $0x1;
	[sflag:s4] =	ssyncadd.s32 $0xFFFFFFF0  }
.Ltmp0:
0x134: {  	[tilespmem:$0x100] =	vst v32;
	(pc) =	sbr.rel @p0 .LBB2_1-.Ltmp0, $4  }
0x135: {  	[hbm4b:s6+s3] =	stream.linear.scatter [tilespmem:s8], [sflag:$0x1], $0x10, $0x38;
	[tilespmem:$0x180] =	vst v63  }
0x136: {  	_ =	swait.ge [sflag:s4], $0x10  }
0x137: {  	[sflag:s4] =	ssyncset.done $0x0  }
0x138: {  	s7 =	sadd.s32 $0xFFFFFFFF, s7;
	[sflag:s4] =	ssyncadd.s32 $0xFFFFFFF0  }
0x139: {  	_ =	sfence.sel $0x180000  }
0x13a: {  	[bflag:$0x0] =	sbarrier.arrive $0xFFFF  }
0x13b: {  	p0 =	sne.s32 s0, $0x0;
	_ =	strace $0x90000047  }
0x13c: {  	s0 =	sadd.s32 @!p0 $0x100000, s1;
	[bflag:$0x2] =	sbarrier.arrive $0xFFFF  }
0x13d: {  	[sflag:s0] =	ssyncadd.tile.s32 @!p0 $0x1;
	_ =	shalt  }
.Lfunc_end2:
_tile_overlayer_lowered:
.L_overlay_start_2:
0x13e: {  	(tag) =	ssettag $0x2  }
0x13f: {  	s0 =	rddreg [dreg:$0x0];
	s2 =	stileid.u32  }
0x140: {  	s1 =	rddreg [dreg:$0x1];
	p0 =	sne.s32 s2, $0x0  }
0x141: {  	s3 =	rddreg [dreg:$0x2];
	[bflag:$0x3] =	sbarrier.arrive $0xFFFF;
	s2 =	simm.s32 @!p0 $0x1C01  }
0x142: {  	[timem:s3], [sflag:s2] =	dma.local @!p0 [hbm:s0], s1  }
0x143: {  	s0 =	simm.s32 @!p0 $0x1  }
0x144: {  	_ =	swait.ge @!p0 [sflag:s0], s1  }
0x145: {  	s1 =	ssub.s32 @!p0 $0x0, s1;
	[sflag:s0] =	ssyncset.done @!p0 $0x0  }
0x146: {  	[sflag:s0] =	ssyncadd.s32 @!p0 s1  }
0x147: {  	[bflag:$0x3] =	sbarrier.arrive $0xFFFF  }
0x148: {  	_ =	shalt  }

</sc_bundles>
